<compile_context>
chip_gen: v7x
topology: tpu7x:2x2x1
jax: 0.10.2.dev20260603
libtpu: 0.0.44.dev20260713+nightly
codegen_flags: <defaults>
</compile_context>

<pallas_src>
import functools

import numpy as np
import jax
import jax.numpy as jnp
from jax.experimental import pallas as pl
from jax.experimental.pallas import tpu as pltpu

_ALPHA = np.float32(3.0)
_K = 16
_BLK = 80


def _np_threefry_uniform(size):
    rot = ((13, 15, 26, 6), (17, 29, 16, 24))
    k1, k2 = np.uint32(0), np.uint32(42)
    ks2 = np.uint32(int(k1) ^ int(k2) ^ 0x1BD11BDA)
    ks = (k1, k2, ks2)
    x1 = np.arange(size, dtype=np.uint32)
    x1 += k2
    x0 = x1.copy()
    t = np.empty_like(x1)
    first = True
    for i in range(5):
        for r in rot[i % 2]:
            if first:
                first = False
            else:
                x0 += x1
            np.left_shift(x1, np.uint32(r), out=t)
            np.right_shift(x1, np.uint32(32 - r), out=x1)
            x1 |= t
            x1 ^= x0
        x0 += ks[(i + 1) % 3]
        x1 += np.uint32((int(ks[(i + 2) % 3]) + i + 1) & 0xFFFFFFFF)
    x0 ^= x1
    np.right_shift(x0, np.uint32(9), out=x0)
    x0 |= np.uint32(0x3F800000)
    return x0.view(np.float32) - np.float32(1.0)


@functools.lru_cache(maxsize=2)
def _noise01_host(n):
    try:
        cpu = jax.devices("cpu")[0]
        with jax.default_device(cpu):
            u = jax.random.uniform(jax.random.key(42), (n, n),
                                   dtype=jnp.float32)
            u = np.asarray(u)
    except Exception:
        u = _np_threefry_uniform(n * n).reshape(n, n)
    return u * np.float32(0.01)


_SORT8 = ((0, 1), (2, 3), (4, 5), (6, 7),
          (0, 2), (1, 3), (4, 6), (5, 7),
          (1, 2), (5, 6), (0, 4), (3, 7),
          (1, 5), (2, 6),
          (1, 4), (3, 6),
          (2, 4), (3, 5),
          (3, 4))


def _nodevec_kernel(e1_ref, e2_ref, w1_ref, b1_ref, w2_ref, b2_ref,
                    n1_ref, n2_ref):
    dn = (((1,), (1,)), ((), ()))
    h1 = jax.lax.dot_general(e1_ref[...], w1_ref[...], dn,
                             preferred_element_type=jnp.float32)
    n1_ref[...] = jnp.tanh(_ALPHA * (h1 + b1_ref[...]))
    h2 = jax.lax.dot_general(e2_ref[...], w2_ref[...], dn,
                             preferred_element_type=jnp.float32)
    n2_ref[...] = jnp.tanh(_ALPHA * (h2 + b2_ref[...]))


def _adj_kernel(n1_ref, n2_ref, n1b_ref, n2b_ref, nz_ref, out_ref, *, blk, n):
    dn = (((1,), (1,)), ((), ()))
    a = (jax.lax.dot_general(n1b_ref[...], n2_ref[...], dn,
                             preferred_element_type=jnp.float32)
         - jax.lax.dot_general(n2b_ref[...], n1_ref[...], dn,
                               preferred_element_type=jnp.float32))
    adj = jnp.maximum(jnp.tanh(_ALPHA * a), np.float32(0.0))

    v = adj + nz_ref[...]

    ns = 8
    npad = ((n + 8 * 128 - 1) // (8 * 128)) * (8 * 128)
    sw = npad // ns
    neg = np.float32(-1.0)
    vp = jnp.concatenate(
        [v, jnp.full((blk, npad - n), neg, jnp.float32)], axis=1)
    secs = [vp[:, s * sw:(s + 1) * sw] for s in range(ns)]
    for a, b in _SORT8:
        hi = jnp.maximum(secs[a], secs[b])
        lo_ = jnp.minimum(secs[a], secs[b])
        secs[a], secs[b] = hi, lo_
    heads, q = secs[0], secs[1:]
    one = np.float32(1.0)
    ms, cs = [], []
    for _ in range(_K):
        m = jnp.max(heads, axis=1, keepdims=True)
        h = heads == m
        cs.append(jnp.sum(jnp.where(h, one, np.float32(0.0)),
                          axis=1, keepdims=True))
        ms.append(m)
        heads = jnp.where(h, q[0], heads)
        for s in range(ns - 2):
            q[s] = jnp.where(h, q[s + 1], q[s])
        q[ns - 2] = jnp.where(h, neg, q[ns - 2])
    mm = jnp.concatenate(ms, axis=1)
    cc = jnp.concatenate(cs, axis=1)
    cums, running = [], jnp.zeros_like(cs[0])
    for c in cs:
        running = running + c
        cums.append(running)
    cum = jnp.concatenate(cums, axis=1)
    kf = np.float32(_K)
    sel_t = (cum >= kf) & ((cum - cc) < kf)
    v16 = jnp.max(jnp.where(sel_t, mm, np.float32(-2.0)),
                  axis=1, keepdims=True)
    g = jnp.sum(jnp.where(mm > v16, cc, np.float32(0.0)),
                axis=1, keepdims=True)
    need = kf - g

    colf = jax.lax.broadcasted_iota(jnp.int32, (blk, n), 1).astype(jnp.float32)
    eq = v == v16
    bigf = np.float32(2.0 * n)

    def _cond(state):
        _, taken = state
        return jnp.any(taken < need)

    def _body(state):
        cut, taken = state
        cand = jnp.where(eq & (colf > cut), colf, bigf)
        j = jnp.min(cand, axis=1, keepdims=True)
        act = taken < need
        cut = jnp.where(act, j, cut)
        taken = taken + jnp.where(act, one, np.float32(0.0))
        return cut, taken

    cut0 = jnp.full((blk, 1), neg, jnp.float32)
    tk0 = jnp.zeros((blk, 1), jnp.float32)
    cut, _ = jax.lax.while_loop(_cond, _body, (cut0, tk0))
    sel = (v > v16) | (eq & (colf <= cut))
    out_ref[...] = jnp.where(sel, adj, np.float32(0.0))


def _build(n, dim, interpret=False):
    nodevec = pl.pallas_call(
        _nodevec_kernel,
        out_shape=[jax.ShapeDtypeStruct((n, dim), jnp.float32)] * 2,
        interpret=interpret,
    )
    blk = _BLK
    assert n % blk == 0
    adj = pl.pallas_call(
        functools.partial(_adj_kernel, blk=blk, n=n),
        grid=(n // blk,),
        in_specs=[
            pl.BlockSpec((n, dim), lambda i: (0, 0)),
            pl.BlockSpec((n, dim), lambda i: (0, 0)),
            pl.BlockSpec((blk, dim), lambda i: (i, 0)),
            pl.BlockSpec((blk, dim), lambda i: (i, 0)),
            pl.BlockSpec((blk, n), lambda i: (i, 0)),
        ],
        out_specs=pl.BlockSpec((blk, n), lambda i: (i, 0)),
        out_shape=jax.ShapeDtypeStruct((n, n), jnp.float32),
        compiler_params=pltpu.CompilerParams(
            dimension_semantics=("parallel",)),
        interpret=interpret,
    )
    return nodevec, adj


def kernel(idx, device, emb1, emb2, W1, b1, W2, b2):
    n = idx.shape[0]
    dim = emb1.shape[1]
    e1 = jnp.take(emb1, idx, axis=0)
    e2 = jnp.take(emb2, idx, axis=0)
    nodevec, adj = _build(n, dim)
    n1, n2 = nodevec(e1, e2, W1, b1.reshape(1, -1), W2, b2.reshape(1, -1))
    noise01 = jnp.asarray(_noise01_host(n))
    return adj(n1, n2, n1, n2, noise01)

# --- scband reference (transcript-rebuilt; emitter-appended) ---
"""Pipeline reference for scband-graph-constructor-592705487497 (READ-ONLY COPY).

The authoritative reference and input builder live on the scoring server;
editing this copy changes nothing except your own understanding.
"""

import jax, jax.numpy as jnp
import numpy as np

NNODES = 10000
DIM = 128
K = 16
ALPHA = 3.0


def setup_inputs(seed: int = 0) -> dict:
    key = jax.random.key(seed)
    ks = jax.random.split(key, 8)
    idx = jnp.arange(NNODES, dtype=jnp.int32)
    emb1 = jax.random.normal(ks[0], (NNODES, DIM), dtype=jnp.float32)
    emb2 = jax.random.normal(ks[1], (NNODES, DIM), dtype=jnp.float32)
    bound = 1.0 / np.sqrt(DIM)
    W1 = jax.random.uniform(ks[2], (DIM, DIM), dtype=jnp.float32, minval=-bound, maxval=bound)
    b1 = jax.random.uniform(ks[3], (DIM,), dtype=jnp.float32, minval=-bound, maxval=bound)
    W2 = jax.random.uniform(ks[4], (DIM, DIM), dtype=jnp.float32, minval=-bound, maxval=bound)
    b2 = jax.random.uniform(ks[5], (DIM,), dtype=jnp.float32, minval=-bound, maxval=bound)
    return {"idx": idx, "device": 0, "emb1": emb1, "emb2": emb2,
            "W1": W1, "b1": b1, "W2": W2, "b2": b2}


def reference(idx, device, emb1, emb2, W1, b1, W2, b2):
    # device arg is a no-op in JAX (torch-specific)
    nodevec1 = jnp.take(emb1, idx, axis=0)          # embedding lookup (gather)
    nodevec2 = jnp.take(emb2, idx, axis=0)
    nodevec1 = jnp.tanh(ALPHA * (nodevec1 @ W1.T + b1))
    nodevec2 = jnp.tanh(ALPHA * (nodevec2 @ W2.T + b2))
    a = nodevec1 @ nodevec2.T - nodevec2 @ nodevec1.T
    adj = jax.nn.relu(jnp.tanh(ALPHA * a))
    n = idx.shape[0]
    noise = jax.random.uniform(jax.random.key(42), (n, n), dtype=adj.dtype) * 0.01
    _, t1 = jax.lax.top_k(adj + noise, K)           # per-row top-k
    rows = jnp.arange(n, dtype=t1.dtype)[:, None]
    mask = jnp.zeros((n, n), dtype=adj.dtype).at[rows, t1].set(1.0)  # scatter-overwrite
    return adj * mask

if __name__ == "__main__":
    import jax
    _d = setup_inputs()
    print(jax.jit(kernel)(*tuple(_d.values())))

</pallas_src>

<mosaic_0001>
module attributes {stable_mosaic.version = 14 : i64} {
  func.func @_adj_kernel(%arg0: i32, %arg1: memref<10000x128xf32, #tpu.memory_space<vmem>>, %arg2: memref<10000x128xf32, #tpu.memory_space<vmem>>, %arg3: memref<80x128xf32, #tpu.memory_space<vmem>>, %arg4: memref<80x128xf32, #tpu.memory_space<vmem>>, %arg5: memref<80x10000xf32, #tpu.memory_space<vmem>>, %arg6: memref<80x10000xf32, #tpu.memory_space<vmem>>) attributes {dimension_semantics = [#tpu.dimension_semantics<parallel>], iteration_bounds = array<i64: 125>, scalar_prefetch = 0 : i64, scratch_operands = 0 : i64, tpu.core_type = #tpu.core_type<tc>, window_params = [{pipeline_mode = #tpu.pipeline_mode<synchronous>, transform_indices = @transform_0, window_bounds = array<i64: 10000, 128>}, {pipeline_mode = #tpu.pipeline_mode<synchronous>, transform_indices = @transform_1, window_bounds = array<i64: 10000, 128>}, {transform_indices = @transform_2, window_bounds = array<i64: 80, 128>}, {transform_indices = @transform_3, window_bounds = array<i64: 80, 128>}, {transform_indices = @transform_4, window_bounds = array<i64: 80, 10000>}, {transform_indices = @transform_5, window_bounds = array<i64: 80, 10000>}]} {
    %get3A = arith.constant 0 : index
    %get3A_0 = arith.constant 0 : index
    %get3A_1 = vector.load %arg3[%get3A, %get3A_0] : memref<80x128xf32, #tpu.memory_space<vmem>>, vector<80x128xf32>
    %get3A_2 = arith.constant 0 : index
    %get3A_3 = arith.constant 0 : index
    %get3A_4 = vector.load %arg2[%get3A_2, %get3A_3] : memref<10000x128xf32, #tpu.memory_space<vmem>>, vector<10000x128xf32>
    %dot_general3A = arith.constant dense<0.000000e+00> : vector<80x10000xf32>
    %dot_general3A_5 = tpu.matmul %get3A_1, %get3A_4, %dot_general3A {dimension_numbers = #tpu.dot_dimension_numbers<[1], [1], [0], [0], [0, 0, 1, 0], [], []>, transpose_lhs_hint = false} : vector<80x128xf32>, vector<10000x128xf32>, vector<80x10000xf32> -> vector<80x10000xf32>
    %get3A_6 = arith.constant 0 : index
    %get3A_7 = arith.constant 0 : index
    %get3A_8 = vector.load %arg4[%get3A_6, %get3A_7] : memref<80x128xf32, #tpu.memory_space<vmem>>, vector<80x128xf32>
    %get3A_9 = arith.constant 0 : index
    %get3A_10 = arith.constant 0 : index
    %get3A_11 = vector.load %arg1[%get3A_9, %get3A_10] : memref<10000x128xf32, #tpu.memory_space<vmem>>, vector<10000x128xf32>
    %dot_general3A_12 = arith.constant dense<0.000000e+00> : vector<80x10000xf32>
    %dot_general3A_13 = tpu.matmul %get3A_8, %get3A_11, %dot_general3A_12 {dimension_numbers = #tpu.dot_dimension_numbers<[1], [1], [0], [0], [0, 0, 1, 0], [], []>, transpose_lhs_hint = false} : vector<80x128xf32>, vector<10000x128xf32>, vector<80x10000xf32> -> vector<80x10000xf32>
    %sub3A = arith.subf %dot_general3A_5, %dot_general3A_13 : vector<80x10000xf32>
    %mul3A = arith.constant 3.000000e+00 : f32
    %mul3A_14 = vector.broadcast %mul3A : f32 to vector<80x10000xf32>
    %mul3A_15 = arith.mulf %mul3A_14, %sub3A : vector<80x10000xf32>
    %tanh3A = math.tanh %mul3A_15 : vector<80x10000xf32>
    %max3A = arith.constant 0.000000e+00 : f32
    %max3A_16 = vector.broadcast %max3A : f32 to vector<80x10000xf32>
    %max3A_17 = arith.maximumf %tanh3A, %max3A_16 : vector<80x10000xf32>
    %get3A_18 = arith.constant 0 : index
    %get3A_19 = arith.constant 0 : index
    %get3A_20 = vector.load %arg5[%get3A_18, %get3A_19] : memref<80x10000xf32, #tpu.memory_space<vmem>>, vector<80x10000xf32>
    %add3A = arith.addf %max3A_17, %get3A_20 : vector<80x10000xf32>
    %broadcast_in_dim3A = arith.constant -1.000000e+00 : f32
    %broadcast_in_dim3A_21 = vector.broadcast %broadcast_in_dim3A : f32 to vector<80x240xf32>
    %concatenate3A = tpu.concatenate %add3A, %broadcast_in_dim3A_21 in 1 : vector<80x10000xf32>, vector<80x240xf32> -> vector<80x10240xf32>
    %slice3A = vector.extract_strided_slice %concatenate3A {offsets = [0, 0], sizes = [80, 1280], strides = [1, 1]} : vector<80x10240xf32> to vector<80x1280xf32>
    %slice3A_22 = vector.extract_strided_slice %concatenate3A {offsets = [0, 1280], sizes = [80, 1280], strides = [1, 1]} : vector<80x10240xf32> to vector<80x1280xf32>
    %slice3A_23 = vector.extract_strided_slice %concatenate3A {offsets = [0, 2560], sizes = [80, 1280], strides = [1, 1]} : vector<80x10240xf32> to vector<80x1280xf32>
    %slice3A_24 = vector.extract_strided_slice %concatenate3A {offsets = [0, 3840], sizes = [80, 1280], strides = [1, 1]} : vector<80x10240xf32> to vector<80x1280xf32>
    %slice3A_25 = vector.extract_strided_slice %concatenate3A {offsets = [0, 5120], sizes = [80, 1280], strides = [1, 1]} : vector<80x10240xf32> to vector<80x1280xf32>
    %slice3A_26 = vector.extract_strided_slice %concatenate3A {offsets = [0, 6400], sizes = [80, 1280], strides = [1, 1]} : vector<80x10240xf32> to vector<80x1280xf32>
    %slice3A_27 = vector.extract_strided_slice %concatenate3A {offsets = [0, 7680], sizes = [80, 1280], strides = [1, 1]} : vector<80x10240xf32> to vector<80x1280xf32>
    %slice3A_28 = vector.extract_strided_slice %concatenate3A {offsets = [0, 8960], sizes = [80, 1280], strides = [1, 1]} : vector<80x10240xf32> to vector<80x1280xf32>
    %max3A_29 = arith.maximumf %slice3A, %slice3A_22 : vector<80x1280xf32>
    %min3A = arith.minimumf %slice3A, %slice3A_22 : vector<80x1280xf32>
    %max3A_30 = arith.maximumf %slice3A_23, %slice3A_24 : vector<80x1280xf32>
    %min3A_31 = arith.minimumf %slice3A_23, %slice3A_24 : vector<80x1280xf32>
    %max3A_32 = arith.maximumf %slice3A_25, %slice3A_26 : vector<80x1280xf32>
    %min3A_33 = arith.minimumf %slice3A_25, %slice3A_26 : vector<80x1280xf32>
    %max3A_34 = arith.maximumf %slice3A_27, %slice3A_28 : vector<80x1280xf32>
    %min3A_35 = arith.minimumf %slice3A_27, %slice3A_28 : vector<80x1280xf32>
    %max3A_36 = arith.maximumf %max3A_29, %max3A_30 : vector<80x1280xf32>
    %min3A_37 = arith.minimumf %max3A_29, %max3A_30 : vector<80x1280xf32>
    %max3A_38 = arith.maximumf %min3A, %min3A_31 : vector<80x1280xf32>
    %min3A_39 = arith.minimumf %min3A, %min3A_31 : vector<80x1280xf32>
    %max3A_40 = arith.maximumf %max3A_32, %max3A_34 : vector<80x1280xf32>
    %min3A_41 = arith.minimumf %max3A_32, %max3A_34 : vector<80x1280xf32>
    %max3A_42 = arith.maximumf %min3A_33, %min3A_35 : vector<80x1280xf32>
    %min3A_43 = arith.minimumf %min3A_33, %min3A_35 : vector<80x1280xf32>
    %max3A_44 = arith.maximumf %max3A_38, %min3A_37 : vector<80x1280xf32>
    %min3A_45 = arith.minimumf %max3A_38, %min3A_37 : vector<80x1280xf32>
    %max3A_46 = arith.maximumf %max3A_42, %min3A_41 : vector<80x1280xf32>
    %min3A_47 = arith.minimumf %max3A_42, %min3A_41 : vector<80x1280xf32>
    %max3A_48 = arith.maximumf %max3A_36, %max3A_40 : vector<80x1280xf32>
    %min3A_49 = arith.minimumf %max3A_36, %max3A_40 : vector<80x1280xf32>
    %max3A_50 = arith.maximumf %min3A_39, %min3A_43 : vector<80x1280xf32>
    %min3A_51 = arith.minimumf %min3A_39, %min3A_43 : vector<80x1280xf32>
    %max3A_52 = arith.maximumf %max3A_44, %max3A_46 : vector<80x1280xf32>
    %min3A_53 = arith.minimumf %max3A_44, %max3A_46 : vector<80x1280xf32>
    %max3A_54 = arith.maximumf %min3A_45, %min3A_47 : vector<80x1280xf32>
    %min3A_55 = arith.minimumf %min3A_45, %min3A_47 : vector<80x1280xf32>
    %max3A_56 = arith.maximumf %max3A_52, %min3A_49 : vector<80x1280xf32>
    %min3A_57 = arith.minimumf %max3A_52, %min3A_49 : vector<80x1280xf32>
    %max3A_58 = arith.maximumf %max3A_50, %min3A_55 : vector<80x1280xf32>
    %min3A_59 = arith.minimumf %max3A_50, %min3A_55 : vector<80x1280xf32>
    %max3A_60 = arith.maximumf %max3A_54, %min3A_57 : vector<80x1280xf32>
    %min3A_61 = arith.minimumf %max3A_54, %min3A_57 : vector<80x1280xf32>
    %max3A_62 = arith.maximumf %max3A_58, %min3A_53 : vector<80x1280xf32>
    %min3A_63 = arith.minimumf %max3A_58, %min3A_53 : vector<80x1280xf32>
    %max3A_64 = arith.maximumf %max3A_62, %min3A_61 : vector<80x1280xf32>
    %min3A_65 = arith.minimumf %max3A_62, %min3A_61 : vector<80x1280xf32>
    %reduce_max3A = arith.constant dense<0xFF800000> : vector<80xf32>
    %reduce_max3A_66 = vector.multi_reduction <maximumf>, %max3A_48, %reduce_max3A [1] : vector<80x1280xf32> to vector<80xf32>
    %broadcast_in_dim3A_67 = vector.shape_cast %reduce_max3A_66 : vector<80xf32> to vector<80x1xf32>
    %eq3A = vector.broadcast %broadcast_in_dim3A_67 : vector<80x1xf32> to vector<80x1280xf32>
    %eq3A_68 = arith.cmpf oeq, %max3A_48, %eq3A : vector<80x1280xf32>
    %jit3A = arith.constant 1.000000e+00 : f32
    %jit3A_69 = arith.constant 0.000000e+00 : f32
    %broadcast_in_dim3A_70 = vector.broadcast %jit3A : f32 to vector<80x1280xf32>
    %broadcast_in_dim3A_71 = vector.broadcast %jit3A_69 : f32 to vector<80x1280xf32>
    %select_n3A = arith.select %eq3A_68, %broadcast_in_dim3A_70, %broadcast_in_dim3A_71 : vector<80x1280xi1>, vector<80x1280xf32>
    %reduce_sum3A = arith.constant dense<0.000000e+00> : vector<80xf32>
    %reduce_sum3A_72 = vector.multi_reduction <add>, %select_n3A, %reduce_sum3A [1] : vector<80x1280xf32> to vector<80xf32>
    %broadcast_in_dim3A_73 = vector.shape_cast %reduce_sum3A_72 : vector<80xf32> to vector<80x1xf32>
    %select_n3A_74 = arith.select %eq3A_68, %max3A_56, %max3A_48 : vector<80x1280xi1>, vector<80x1280xf32>
    %select_n3A_75 = arith.select %eq3A_68, %max3A_60, %max3A_56 : vector<80x1280xi1>, vector<80x1280xf32>
    %select_n3A_76 = arith.select %eq3A_68, %max3A_64, %max3A_60 : vector<80x1280xi1>, vector<80x1280xf32>
    %select_n3A_77 = arith.select %eq3A_68, %min3A_65, %max3A_64 : vector<80x1280xi1>, vector<80x1280xf32>
    %select_n3A_78 = arith.select %eq3A_68, %min3A_63, %min3A_65 : vector<80x1280xi1>, vector<80x1280xf32>
    %select_n3A_79 = arith.select %eq3A_68, %min3A_59, %min3A_63 : vector<80x1280xi1>, vector<80x1280xf32>
    %select_n3A_80 = arith.select %eq3A_68, %min3A_51, %min3A_59 : vector<80x1280xi1>, vector<80x1280xf32>
    %jit3A_81 = arith.constant -1.000000e+00 : f32
    %broadcast_in_dim3A_82 = vector.broadcast %jit3A_81 : f32 to vector<80x1280xf32>
    %select_n3A_83 = arith.select %eq3A_68, %broadcast_in_dim3A_82, %min3A_51 : vector<80x1280xi1>, vector<80x1280xf32>
    %reduce_max3A_84 = arith.constant dense<0xFF800000> : vector<80xf32>
    %reduce_max3A_85 = vector.multi_reduction <maximumf>, %select_n3A_74, %reduce_max3A_84 [1] : vector<80x1280xf32> to vector<80xf32>
    %broadcast_in_dim3A_86 = vector.shape_cast %reduce_max3A_85 : vector<80xf32> to vector<80x1xf32>
    %eq3A_87 = vector.broadcast %broadcast_in_dim3A_86 : vector<80x1xf32> to vector<80x1280xf32>
    %eq3A_88 = arith.cmpf oeq, %select_n3A_74, %eq3A_87 : vector<80x1280xf32>
    %jit3A_89 = arith.constant 1.000000e+00 : f32
    %jit3A_90 = arith.constant 0.000000e+00 : f32
    %broadcast_in_dim3A_91 = vector.broadcast %jit3A_89 : f32 to vector<80x1280xf32>
    %broadcast_in_dim3A_92 = vector.broadcast %jit3A_90 : f32 to vector<80x1280xf32>
    %select_n3A_93 = arith.select %eq3A_88, %broadcast_in_dim3A_91, %broadcast_in_dim3A_92 : vector<80x1280xi1>, vector<80x1280xf32>
    %reduce_sum3A_94 = arith.constant dense<0.000000e+00> : vector<80xf32>
    %reduce_sum3A_95 = vector.multi_reduction <add>, %select_n3A_93, %reduce_sum3A_94 [1] : vector<80x1280xf32> to vector<80xf32>
    %broadcast_in_dim3A_96 = vector.shape_cast %reduce_sum3A_95 : vector<80xf32> to vector<80x1xf32>
    %select_n3A_97 = arith.select %eq3A_88, %select_n3A_75, %select_n3A_74 : vector<80x1280xi1>, vector<80x1280xf32>
    %select_n3A_98 = arith.select %eq3A_88, %select_n3A_76, %select_n3A_75 : vector<80x1280xi1>, vector<80x1280xf32>
    %select_n3A_99 = arith.select %eq3A_88, %select_n3A_77, %select_n3A_76 : vector<80x1280xi1>, vector<80x1280xf32>
    %select_n3A_100 = arith.select %eq3A_88, %select_n3A_78, %select_n3A_77 : vector<80x1280xi1>, vector<80x1280xf32>
    %select_n3A_101 = arith.select %eq3A_88, %select_n3A_79, %select_n3A_78 : vector<80x1280xi1>, vector<80x1280xf32>
    %select_n3A_102 = arith.select %eq3A_88, %select_n3A_80, %select_n3A_79 : vector<80x1280xi1>, vector<80x1280xf32>
    %select_n3A_103 = arith.select %eq3A_88, %select_n3A_83, %select_n3A_80 : vector<80x1280xi1>, vector<80x1280xf32>
    %jit3A_104 = arith.constant -1.000000e+00 : f32
    %broadcast_in_dim3A_105 = vector.broadcast %jit3A_104 : f32 to vector<80x1280xf32>
    %select_n3A_106 = arith.select %eq3A_88, %broadcast_in_dim3A_105, %select_n3A_83 : vector<80x1280xi1>, vector<80x1280xf32>
    %reduce_max3A_107 = arith.constant dense<0xFF800000> : vector<80xf32>
    %reduce_max3A_108 = vector.multi_reduction <maximumf>, %select_n3A_97, %reduce_max3A_107 [1] : vector<80x1280xf32> to vector<80xf32>
    %broadcast_in_dim3A_109 = vector.shape_cast %reduce_max3A_108 : vector<80xf32> to vector<80x1xf32>
    %eq3A_110 = vector.broadcast %broadcast_in_dim3A_109 : vector<80x1xf32> to vector<80x1280xf32>
    %eq3A_111 = arith.cmpf oeq, %select_n3A_97, %eq3A_110 : vector<80x1280xf32>
    %jit3A_112 = arith.constant 1.000000e+00 : f32
    %jit3A_113 = arith.constant 0.000000e+00 : f32
    %broadcast_in_dim3A_114 = vector.broadcast %jit3A_112 : f32 to vector<80x1280xf32>
    %broadcast_in_dim3A_115 = vector.broadcast %jit3A_113 : f32 to vector<80x1280xf32>
    %select_n3A_116 = arith.select %eq3A_111, %broadcast_in_dim3A_114, %broadcast_in_dim3A_115 : vector<80x1280xi1>, vector<80x1280xf32>
    %reduce_sum3A_117 = arith.constant dense<0.000000e+00> : vector<80xf32>
    %reduce_sum3A_118 = vector.multi_reduction <add>, %select_n3A_116, %reduce_sum3A_117 [1] : vector<80x1280xf32> to vector<80xf32>
    %broadcast_in_dim3A_119 = vector.shape_cast %reduce_sum3A_118 : vector<80xf32> to vector<80x1xf32>
    %select_n3A_120 = arith.select %eq3A_111, %select_n3A_98, %select_n3A_97 : vector<80x1280xi1>, vector<80x1280xf32>
    %select_n3A_121 = arith.select %eq3A_111, %select_n3A_99, %select_n3A_98 : vector<80x1280xi1>, vector<80x1280xf32>
    %select_n3A_122 = arith.select %eq3A_111, %select_n3A_100, %select_n3A_99 : vector<80x1280xi1>, vector<80x1280xf32>
    %select_n3A_123 = arith.select %eq3A_111, %select_n3A_101, %select_n3A_100 : vector<80x1280xi1>, vector<80x1280xf32>
    %select_n3A_124 = arith.select %eq3A_111, %select_n3A_102, %select_n3A_101 : vector<80x1280xi1>, vector<80x1280xf32>
    %select_n3A_125 = arith.select %eq3A_111, %select_n3A_103, %select_n3A_102 : vector<80x1280xi1>, vector<80x1280xf32>
    %select_n3A_126 = arith.select %eq3A_111, %select_n3A_106, %select_n3A_103 : vector<80x1280xi1>, vector<80x1280xf32>
    %jit3A_127 = arith.constant -1.000000e+00 : f32
    %broadcast_in_dim3A_128 = vector.broadcast %jit3A_127 : f32 to vector<80x1280xf32>
    %select_n3A_129 = arith.select %eq3A_111, %broadcast_in_dim3A_128, %select_n3A_106 : vector<80x1280xi1>, vector<80x1280xf32>
    %reduce_max3A_130 = arith.constant dense<0xFF800000> : vector<80xf32>
    %reduce_max3A_131 = vector.multi_reduction <maximumf>, %select_n3A_120, %reduce_max3A_130 [1] : vector<80x1280xf32> to vector<80xf32>
    %broadcast_in_dim3A_132 = vector.shape_cast %reduce_max3A_131 : vector<80xf32> to vector<80x1xf32>
    %eq3A_133 = vector.broadcast %broadcast_in_dim3A_132 : vector<80x1xf32> to vector<80x1280xf32>
    %eq3A_134 = arith.cmpf oeq, %select_n3A_120, %eq3A_133 : vector<80x1280xf32>
    %jit3A_135 = arith.constant 1.000000e+00 : f32
    %jit3A_136 = arith.constant 0.000000e+00 : f32
    %broadcast_in_dim3A_137 = vector.broadcast %jit3A_135 : f32 to vector<80x1280xf32>
    %broadcast_in_dim3A_138 = vector.broadcast %jit3A_136 : f32 to vector<80x1280xf32>
    %select_n3A_139 = arith.select %eq3A_134, %broadcast_in_dim3A_137, %broadcast_in_dim3A_138 : vector<80x1280xi1>, vector<80x1280xf32>
    %reduce_sum3A_140 = arith.constant dense<0.000000e+00> : vector<80xf32>
    %reduce_sum3A_141 = vector.multi_reduction <add>, %select_n3A_139, %reduce_sum3A_140 [1] : vector<80x1280xf32> to vector<80xf32>
    %broadcast_in_dim3A_142 = vector.shape_cast %reduce_sum3A_141 : vector<80xf32> to vector<80x1xf32>
    %select_n3A_143 = arith.select %eq3A_134, %select_n3A_121, %select_n3A_120 : vector<80x1280xi1>, vector<80x1280xf32>
    %select_n3A_144 = arith.select %eq3A_134, %select_n3A_122, %select_n3A_121 : vector<80x1280xi1>, vector<80x1280xf32>
    %select_n3A_145 = arith.select %eq3A_134, %select_n3A_123, %select_n3A_122 : vector<80x1280xi1>, vector<80x1280xf32>
    %select_n3A_146 = arith.select %eq3A_134, %select_n3A_124, %select_n3A_123 : vector<80x1280xi1>, vector<80x1280xf32>
    %select_n3A_147 = arith.select %eq3A_134, %select_n3A_125, %select_n3A_124 : vector<80x1280xi1>, vector<80x1280xf32>
    %select_n3A_148 = arith.select %eq3A_134, %select_n3A_126, %select_n3A_125 : vector<80x1280xi1>, vector<80x1280xf32>
    %select_n3A_149 = arith.select %eq3A_134, %select_n3A_129, %select_n3A_126 : vector<80x1280xi1>, vector<80x1280xf32>
    %jit3A_150 = arith.constant -1.000000e+00 : f32
    %broadcast_in_dim3A_151 = vector.broadcast %jit3A_150 : f32 to vector<80x1280xf32>
    %select_n3A_152 = arith.select %eq3A_134, %broadcast_in_dim3A_151, %select_n3A_129 : vector<80x1280xi1>, vector<80x1280xf32>
    %reduce_max3A_153 = arith.constant dense<0xFF800000> : vector<80xf32>
    %reduce_max3A_154 = vector.multi_reduction <maximumf>, %select_n3A_143, %reduce_max3A_153 [1] : vector<80x1280xf32> to vector<80xf32>
    %broadcast_in_dim3A_155 = vector.shape_cast %reduce_max3A_154 : vector<80xf32> to vector<80x1xf32>
    %eq3A_156 = vector.broadcast %broadcast_in_dim3A_155 : vector<80x1xf32> to vector<80x1280xf32>
    %eq3A_157 = arith.cmpf oeq, %select_n3A_143, %eq3A_156 : vector<80x1280xf32>
    %jit3A_158 = arith.constant 1.000000e+00 : f32
    %jit3A_159 = arith.constant 0.000000e+00 : f32
    %broadcast_in_dim3A_160 = vector.broadcast %jit3A_158 : f32 to vector<80x1280xf32>
    %broadcast_in_dim3A_161 = vector.broadcast %jit3A_159 : f32 to vector<80x1280xf32>
    %select_n3A_162 = arith.select %eq3A_157, %broadcast_in_dim3A_160, %broadcast_in_dim3A_161 : vector<80x1280xi1>, vector<80x1280xf32>
    %reduce_sum3A_163 = arith.constant dense<0.000000e+00> : vector<80xf32>
    %reduce_sum3A_164 = vector.multi_reduction <add>, %select_n3A_162, %reduce_sum3A_163 [1] : vector<80x1280xf32> to vector<80xf32>
    %broadcast_in_dim3A_165 = vector.shape_cast %reduce_sum3A_164 : vector<80xf32> to vector<80x1xf32>
    %select_n3A_166 = arith.select %eq3A_157, %select_n3A_144, %select_n3A_143 : vector<80x1280xi1>, vector<80x1280xf32>
    %select_n3A_167 = arith.select %eq3A_157, %select_n3A_145, %select_n3A_144 : vector<80x1280xi1>, vector<80x1280xf32>
    %select_n3A_168 = arith.select %eq3A_157, %select_n3A_146, %select_n3A_145 : vector<80x1280xi1>, vector<80x1280xf32>
    %select_n3A_169 = arith.select %eq3A_157, %select_n3A_147, %select_n3A_146 : vector<80x1280xi1>, vector<80x1280xf32>
    %select_n3A_170 = arith.select %eq3A_157, %select_n3A_148, %select_n3A_147 : vector<80x1280xi1>, vector<80x1280xf32>
    %select_n3A_171 = arith.select %eq3A_157, %select_n3A_149, %select_n3A_148 : vector<80x1280xi1>, vector<80x1280xf32>
    %select_n3A_172 = arith.select %eq3A_157, %select_n3A_152, %select_n3A_149 : vector<80x1280xi1>, vector<80x1280xf32>
    %jit3A_173 = arith.constant -1.000000e+00 : f32
    %broadcast_in_dim3A_174 = vector.broadcast %jit3A_173 : f32 to vector<80x1280xf32>
    %select_n3A_175 = arith.select %eq3A_157, %broadcast_in_dim3A_174, %select_n3A_152 : vector<80x1280xi1>, vector<80x1280xf32>
    %reduce_max3A_176 = arith.constant dense<0xFF800000> : vector<80xf32>
    %reduce_max3A_177 = vector.multi_reduction <maximumf>, %select_n3A_166, %reduce_max3A_176 [1] : vector<80x1280xf32> to vector<80xf32>
    %broadcast_in_dim3A_178 = vector.shape_cast %reduce_max3A_177 : vector<80xf32> to vector<80x1xf32>
    %eq3A_179 = vector.broadcast %broadcast_in_dim3A_178 : vector<80x1xf32> to vector<80x1280xf32>
    %eq3A_180 = arith.cmpf oeq, %select_n3A_166, %eq3A_179 : vector<80x1280xf32>
    %jit3A_181 = arith.constant 1.000000e+00 : f32
    %jit3A_182 = arith.constant 0.000000e+00 : f32
    %broadcast_in_dim3A_183 = vector.broadcast %jit3A_181 : f32 to vector<80x1280xf32>
    %broadcast_in_dim3A_184 = vector.broadcast %jit3A_182 : f32 to vector<80x1280xf32>
    %select_n3A_185 = arith.select %eq3A_180, %broadcast_in_dim3A_183, %broadcast_in_dim3A_184 : vector<80x1280xi1>, vector<80x1280xf32>
    %reduce_sum3A_186 = arith.constant dense<0.000000e+00> : vector<80xf32>
    %reduce_sum3A_187 = vector.multi_reduction <add>, %select_n3A_185, %reduce_sum3A_186 [1] : vector<80x1280xf32> to vector<80xf32>
    %broadcast_in_dim3A_188 = vector.shape_cast %reduce_sum3A_187 : vector<80xf32> to vector<80x1xf32>
    %select_n3A_189 = arith.select %eq3A_180, %select_n3A_167, %select_n3A_166 : vector<80x1280xi1>, vector<80x1280xf32>
    %select_n3A_190 = arith.select %eq3A_180, %select_n3A_168, %select_n3A_167 : vector<80x1280xi1>, vector<80x1280xf32>
    %select_n3A_191 = arith.select %eq3A_180, %select_n3A_169, %select_n3A_168 : vector<80x1280xi1>, vector<80x1280xf32>
    %select_n3A_192 = arith.select %eq3A_180, %select_n3A_170, %select_n3A_169 : vector<80x1280xi1>, vector<80x1280xf32>
    %select_n3A_193 = arith.select %eq3A_180, %select_n3A_171, %select_n3A_170 : vector<80x1280xi1>, vector<80x1280xf32>
    %select_n3A_194 = arith.select %eq3A_180, %select_n3A_172, %select_n3A_171 : vector<80x1280xi1>, vector<80x1280xf32>
    %select_n3A_195 = arith.select %eq3A_180, %select_n3A_175, %select_n3A_172 : vector<80x1280xi1>, vector<80x1280xf32>
    %jit3A_196 = arith.constant -1.000000e+00 : f32
    %broadcast_in_dim3A_197 = vector.broadcast %jit3A_196 : f32 to vector<80x1280xf32>
    %select_n3A_198 = arith.select %eq3A_180, %broadcast_in_dim3A_197, %select_n3A_175 : vector<80x1280xi1>, vector<80x1280xf32>
    %reduce_max3A_199 = arith.constant dense<0xFF800000> : vector<80xf32>
    %reduce_max3A_200 = vector.multi_reduction <maximumf>, %select_n3A_189, %reduce_max3A_199 [1] : vector<80x1280xf32> to vector<80xf32>
    %broadcast_in_dim3A_201 = vector.shape_cast %reduce_max3A_200 : vector<80xf32> to vector<80x1xf32>
    %eq3A_202 = vector.broadcast %broadcast_in_dim3A_201 : vector<80x1xf32> to vector<80x1280xf32>
    %eq3A_203 = arith.cmpf oeq, %select_n3A_189, %eq3A_202 : vector<80x1280xf32>
    %jit3A_204 = arith.constant 1.000000e+00 : f32
    %jit3A_205 = arith.constant 0.000000e+00 : f32
    %broadcast_in_dim3A_206 = vector.broadcast %jit3A_204 : f32 to vector<80x1280xf32>
    %broadcast_in_dim3A_207 = vector.broadcast %jit3A_205 : f32 to vector<80x1280xf32>
    %select_n3A_208 = arith.select %eq3A_203, %broadcast_in_dim3A_206, %broadcast_in_dim3A_207 : vector<80x1280xi1>, vector<80x1280xf32>
    %reduce_sum3A_209 = arith.constant dense<0.000000e+00> : vector<80xf32>
    %reduce_sum3A_210 = vector.multi_reduction <add>, %select_n3A_208, %reduce_sum3A_209 [1] : vector<80x1280xf32> to vector<80xf32>
    %broadcast_in_dim3A_211 = vector.shape_cast %reduce_sum3A_210 : vector<80xf32> to vector<80x1xf32>
    %select_n3A_212 = arith.select %eq3A_203, %select_n3A_190, %select_n3A_189 : vector<80x1280xi1>, vector<80x1280xf32>
    %select_n3A_213 = arith.select %eq3A_203, %select_n3A_191, %select_n3A_190 : vector<80x1280xi1>, vector<80x1280xf32>
    %select_n3A_214 = arith.select %eq3A_203, %select_n3A_192, %select_n3A_191 : vector<80x1280xi1>, vector<80x1280xf32>
    %select_n3A_215 = arith.select %eq3A_203, %select_n3A_193, %select_n3A_192 : vector<80x1280xi1>, vector<80x1280xf32>
    %select_n3A_216 = arith.select %eq3A_203, %select_n3A_194, %select_n3A_193 : vector<80x1280xi1>, vector<80x1280xf32>
    %select_n3A_217 = arith.select %eq3A_203, %select_n3A_195, %select_n3A_194 : vector<80x1280xi1>, vector<80x1280xf32>
    %select_n3A_218 = arith.select %eq3A_203, %select_n3A_198, %select_n3A_195 : vector<80x1280xi1>, vector<80x1280xf32>
    %jit3A_219 = arith.constant -1.000000e+00 : f32
    %broadcast_in_dim3A_220 = vector.broadcast %jit3A_219 : f32 to vector<80x1280xf32>
    %select_n3A_221 = arith.select %eq3A_203, %broadcast_in_dim3A_220, %select_n3A_198 : vector<80x1280xi1>, vector<80x1280xf32>
    %reduce_max3A_222 = arith.constant dense<0xFF800000> : vector<80xf32>
    %reduce_max3A_223 = vector.multi_reduction <maximumf>, %select_n3A_212, %reduce_max3A_222 [1] : vector<80x1280xf32> to vector<80xf32>
    %broadcast_in_dim3A_224 = vector.shape_cast %reduce_max3A_223 : vector<80xf32> to vector<80x1xf32>
    %eq3A_225 = vector.broadcast %broadcast_in_dim3A_224 : vector<80x1xf32> to vector<80x1280xf32>
    %eq3A_226 = arith.cmpf oeq, %select_n3A_212, %eq3A_225 : vector<80x1280xf32>
    %jit3A_227 = arith.constant 1.000000e+00 : f32
    %jit3A_228 = arith.constant 0.000000e+00 : f32
    %broadcast_in_dim3A_229 = vector.broadcast %jit3A_227 : f32 to vector<80x1280xf32>
    %broadcast_in_dim3A_230 = vector.broadcast %jit3A_228 : f32 to vector<80x1280xf32>
    %select_n3A_231 = arith.select %eq3A_226, %broadcast_in_dim3A_229, %broadcast_in_dim3A_230 : vector<80x1280xi1>, vector<80x1280xf32>
    %reduce_sum3A_232 = arith.constant dense<0.000000e+00> : vector<80xf32>
    %reduce_sum3A_233 = vector.multi_reduction <add>, %select_n3A_231, %reduce_sum3A_232 [1] : vector<80x1280xf32> to vector<80xf32>
    %broadcast_in_dim3A_234 = vector.shape_cast %reduce_sum3A_233 : vector<80xf32> to vector<80x1xf32>
    %select_n3A_235 = arith.select %eq3A_226, %select_n3A_213, %select_n3A_212 : vector<80x1280xi1>, vector<80x1280xf32>
    %select_n3A_236 = arith.select %eq3A_226, %select_n3A_214, %select_n3A_213 : vector<80x1280xi1>, vector<80x1280xf32>
    %select_n3A_237 = arith.select %eq3A_226, %select_n3A_215, %select_n3A_214 : vector<80x1280xi1>, vector<80x1280xf32>
    %select_n3A_238 = arith.select %eq3A_226, %select_n3A_216, %select_n3A_215 : vector<80x1280xi1>, vector<80x1280xf32>
    %select_n3A_239 = arith.select %eq3A_226, %select_n3A_217, %select_n3A_216 : vector<80x1280xi1>, vector<80x1280xf32>
    %select_n3A_240 = arith.select %eq3A_226, %select_n3A_218, %select_n3A_217 : vector<80x1280xi1>, vector<80x1280xf32>
    %select_n3A_241 = arith.select %eq3A_226, %select_n3A_221, %select_n3A_218 : vector<80x1280xi1>, vector<80x1280xf32>
    %jit3A_242 = arith.constant -1.000000e+00 : f32
    %broadcast_in_dim3A_243 = vector.broadcast %jit3A_242 : f32 to vector<80x1280xf32>
    %select_n3A_244 = arith.select %eq3A_226, %broadcast_in_dim3A_243, %select_n3A_221 : vector<80x1280xi1>, vector<80x1280xf32>
    %reduce_max3A_245 = arith.constant dense<0xFF800000> : vector<80xf32>
    %reduce_max3A_246 = vector.multi_reduction <maximumf>, %select_n3A_235, %reduce_max3A_245 [1] : vector<80x1280xf32> to vector<80xf32>
    %broadcast_in_dim3A_247 = vector.shape_cast %reduce_max3A_246 : vector<80xf32> to vector<80x1xf32>
    %eq3A_248 = vector.broadcast %broadcast_in_dim3A_247 : vector<80x1xf32> to vector<80x1280xf32>
    %eq3A_249 = arith.cmpf oeq, %select_n3A_235, %eq3A_248 : vector<80x1280xf32>
    %jit3A_250 = arith.constant 1.000000e+00 : f32
    %jit3A_251 = arith.constant 0.000000e+00 : f32
    %broadcast_in_dim3A_252 = vector.broadcast %jit3A_250 : f32 to vector<80x1280xf32>
    %broadcast_in_dim3A_253 = vector.broadcast %jit3A_251 : f32 to vector<80x1280xf32>
    %select_n3A_254 = arith.select %eq3A_249, %broadcast_in_dim3A_252, %broadcast_in_dim3A_253 : vector<80x1280xi1>, vector<80x1280xf32>
    %reduce_sum3A_255 = arith.constant dense<0.000000e+00> : vector<80xf32>
    %reduce_sum3A_256 = vector.multi_reduction <add>, %select_n3A_254, %reduce_sum3A_255 [1] : vector<80x1280xf32> to vector<80xf32>
    %broadcast_in_dim3A_257 = vector.shape_cast %reduce_sum3A_256 : vector<80xf32> to vector<80x1xf32>
    %select_n3A_258 = arith.select %eq3A_249, %select_n3A_236, %select_n3A_235 : vector<80x1280xi1>, vector<80x1280xf32>
    %select_n3A_259 = arith.select %eq3A_249, %select_n3A_237, %select_n3A_236 : vector<80x1280xi1>, vector<80x1280xf32>
    %select_n3A_260 = arith.select %eq3A_249, %select_n3A_238, %select_n3A_237 : vector<80x1280xi1>, vector<80x1280xf32>
    %select_n3A_261 = arith.select %eq3A_249, %select_n3A_239, %select_n3A_238 : vector<80x1280xi1>, vector<80x1280xf32>
    %select_n3A_262 = arith.select %eq3A_249, %select_n3A_240, %select_n3A_239 : vector<80x1280xi1>, vector<80x1280xf32>
    %select_n3A_263 = arith.select %eq3A_249, %select_n3A_241, %select_n3A_240 : vector<80x1280xi1>, vector<80x1280xf32>
    %select_n3A_264 = arith.select %eq3A_249, %select_n3A_244, %select_n3A_241 : vector<80x1280xi1>, vector<80x1280xf32>
    %reduce_max3A_265 = arith.constant dense<0xFF800000> : vector<80xf32>
    %reduce_max3A_266 = vector.multi_reduction <maximumf>, %select_n3A_258, %reduce_max3A_265 [1] : vector<80x1280xf32> to vector<80xf32>
    %broadcast_in_dim3A_267 = vector.shape_cast %reduce_max3A_266 : vector<80xf32> to vector<80x1xf32>
    %eq3A_268 = vector.broadcast %broadcast_in_dim3A_267 : vector<80x1xf32> to vector<80x1280xf32>
    %eq3A_269 = arith.cmpf oeq, %select_n3A_258, %eq3A_268 : vector<80x1280xf32>
    %jit3A_270 = arith.constant 1.000000e+00 : f32
    %jit3A_271 = arith.constant 0.000000e+00 : f32
    %broadcast_in_dim3A_272 = vector.broadcast %jit3A_270 : f32 to vector<80x1280xf32>
    %broadcast_in_dim3A_273 = vector.broadcast %jit3A_271 : f32 to vector<80x1280xf32>
    %select_n3A_274 = arith.select %eq3A_269, %broadcast_in_dim3A_272, %broadcast_in_dim3A_273 : vector<80x1280xi1>, vector<80x1280xf32>
    %reduce_sum3A_275 = arith.constant dense<0.000000e+00> : vector<80xf32>
    %reduce_sum3A_276 = vector.multi_reduction <add>, %select_n3A_274, %reduce_sum3A_275 [1] : vector<80x1280xf32> to vector<80xf32>
    %broadcast_in_dim3A_277 = vector.shape_cast %reduce_sum3A_276 : vector<80xf32> to vector<80x1xf32>
    %select_n3A_278 = arith.select %eq3A_269, %select_n3A_259, %select_n3A_258 : vector<80x1280xi1>, vector<80x1280xf32>
    %select_n3A_279 = arith.select %eq3A_269, %select_n3A_260, %select_n3A_259 : vector<80x1280xi1>, vector<80x1280xf32>
    %select_n3A_280 = arith.select %eq3A_269, %select_n3A_261, %select_n3A_260 : vector<80x1280xi1>, vector<80x1280xf32>
    %select_n3A_281 = arith.select %eq3A_269, %select_n3A_262, %select_n3A_261 : vector<80x1280xi1>, vector<80x1280xf32>
    %select_n3A_282 = arith.select %eq3A_269, %select_n3A_263, %select_n3A_262 : vector<80x1280xi1>, vector<80x1280xf32>
    %select_n3A_283 = arith.select %eq3A_269, %select_n3A_264, %select_n3A_263 : vector<80x1280xi1>, vector<80x1280xf32>
    %reduce_max3A_284 = arith.constant dense<0xFF800000> : vector<80xf32>
    %reduce_max3A_285 = vector.multi_reduction <maximumf>, %select_n3A_278, %reduce_max3A_284 [1] : vector<80x1280xf32> to vector<80xf32>
    %broadcast_in_dim3A_286 = vector.shape_cast %reduce_max3A_285 : vector<80xf32> to vector<80x1xf32>
    %eq3A_287 = vector.broadcast %broadcast_in_dim3A_286 : vector<80x1xf32> to vector<80x1280xf32>
    %eq3A_288 = arith.cmpf oeq, %select_n3A_278, %eq3A_287 : vector<80x1280xf32>
    %jit3A_289 = arith.constant 1.000000e+00 : f32
    %jit3A_290 = arith.constant 0.000000e+00 : f32
    %broadcast_in_dim3A_291 = vector.broadcast %jit3A_289 : f32 to vector<80x1280xf32>
    %broadcast_in_dim3A_292 = vector.broadcast %jit3A_290 : f32 to vector<80x1280xf32>
    %select_n3A_293 = arith.select %eq3A_288, %broadcast_in_dim3A_291, %broadcast_in_dim3A_292 : vector<80x1280xi1>, vector<80x1280xf32>
    %reduce_sum3A_294 = arith.constant dense<0.000000e+00> : vector<80xf32>
    %reduce_sum3A_295 = vector.multi_reduction <add>, %select_n3A_293, %reduce_sum3A_294 [1] : vector<80x1280xf32> to vector<80xf32>
    %broadcast_in_dim3A_296 = vector.shape_cast %reduce_sum3A_295 : vector<80xf32> to vector<80x1xf32>
    %select_n3A_297 = arith.select %eq3A_288, %select_n3A_279, %select_n3A_278 : vector<80x1280xi1>, vector<80x1280xf32>
    %select_n3A_298 = arith.select %eq3A_288, %select_n3A_280, %select_n3A_279 : vector<80x1280xi1>, vector<80x1280xf32>
    %select_n3A_299 = arith.select %eq3A_288, %select_n3A_281, %select_n3A_280 : vector<80x1280xi1>, vector<80x1280xf32>
    %select_n3A_300 = arith.select %eq3A_288, %select_n3A_282, %select_n3A_281 : vector<80x1280xi1>, vector<80x1280xf32>
    %select_n3A_301 = arith.select %eq3A_288, %select_n3A_283, %select_n3A_282 : vector<80x1280xi1>, vector<80x1280xf32>
    %reduce_max3A_302 = arith.constant dense<0xFF800000> : vector<80xf32>
    %reduce_max3A_303 = vector.multi_reduction <maximumf>, %select_n3A_297, %reduce_max3A_302 [1] : vector<80x1280xf32> to vector<80xf32>
    %broadcast_in_dim3A_304 = vector.shape_cast %reduce_max3A_303 : vector<80xf32> to vector<80x1xf32>
    %eq3A_305 = vector.broadcast %broadcast_in_dim3A_304 : vector<80x1xf32> to vector<80x1280xf32>
    %eq3A_306 = arith.cmpf oeq, %select_n3A_297, %eq3A_305 : vector<80x1280xf32>
    %jit3A_307 = arith.constant 1.000000e+00 : f32
    %jit3A_308 = arith.constant 0.000000e+00 : f32
    %broadcast_in_dim3A_309 = vector.broadcast %jit3A_307 : f32 to vector<80x1280xf32>
    %broadcast_in_dim3A_310 = vector.broadcast %jit3A_308 : f32 to vector<80x1280xf32>
    %select_n3A_311 = arith.select %eq3A_306, %broadcast_in_dim3A_309, %broadcast_in_dim3A_310 : vector<80x1280xi1>, vector<80x1280xf32>
    %reduce_sum3A_312 = arith.constant dense<0.000000e+00> : vector<80xf32>
    %reduce_sum3A_313 = vector.multi_reduction <add>, %select_n3A_311, %reduce_sum3A_312 [1] : vector<80x1280xf32> to vector<80xf32>
    %broadcast_in_dim3A_314 = vector.shape_cast %reduce_sum3A_313 : vector<80xf32> to vector<80x1xf32>
    %select_n3A_315 = arith.select %eq3A_306, %select_n3A_298, %select_n3A_297 : vector<80x1280xi1>, vector<80x1280xf32>
    %select_n3A_316 = arith.select %eq3A_306, %select_n3A_299, %select_n3A_298 : vector<80x1280xi1>, vector<80x1280xf32>
    %select_n3A_317 = arith.select %eq3A_306, %select_n3A_300, %select_n3A_299 : vector<80x1280xi1>, vector<80x1280xf32>
    %select_n3A_318 = arith.select %eq3A_306, %select_n3A_301, %select_n3A_300 : vector<80x1280xi1>, vector<80x1280xf32>
    %reduce_max3A_319 = arith.constant dense<0xFF800000> : vector<80xf32>
    %reduce_max3A_320 = vector.multi_reduction <maximumf>, %select_n3A_315, %reduce_max3A_319 [1] : vector<80x1280xf32> to vector<80xf32>
    %broadcast_in_dim3A_321 = vector.shape_cast %reduce_max3A_320 : vector<80xf32> to vector<80x1xf32>
    %eq3A_322 = vector.broadcast %broadcast_in_dim3A_321 : vector<80x1xf32> to vector<80x1280xf32>
    %eq3A_323 = arith.cmpf oeq, %select_n3A_315, %eq3A_322 : vector<80x1280xf32>
    %jit3A_324 = arith.constant 1.000000e+00 : f32
    %jit3A_325 = arith.constant 0.000000e+00 : f32
    %broadcast_in_dim3A_326 = vector.broadcast %jit3A_324 : f32 to vector<80x1280xf32>
    %broadcast_in_dim3A_327 = vector.broadcast %jit3A_325 : f32 to vector<80x1280xf32>
    %select_n3A_328 = arith.select %eq3A_323, %broadcast_in_dim3A_326, %broadcast_in_dim3A_327 : vector<80x1280xi1>, vector<80x1280xf32>
    %reduce_sum3A_329 = arith.constant dense<0.000000e+00> : vector<80xf32>
    %reduce_sum3A_330 = vector.multi_reduction <add>, %select_n3A_328, %reduce_sum3A_329 [1] : vector<80x1280xf32> to vector<80xf32>
    %broadcast_in_dim3A_331 = vector.shape_cast %reduce_sum3A_330 : vector<80xf32> to vector<80x1xf32>
    %select_n3A_332 = arith.select %eq3A_323, %select_n3A_316, %select_n3A_315 : vector<80x1280xi1>, vector<80x1280xf32>
    %select_n3A_333 = arith.select %eq3A_323, %select_n3A_317, %select_n3A_316 : vector<80x1280xi1>, vector<80x1280xf32>
    %select_n3A_334 = arith.select %eq3A_323, %select_n3A_318, %select_n3A_317 : vector<80x1280xi1>, vector<80x1280xf32>
    %reduce_max3A_335 = arith.constant dense<0xFF800000> : vector<80xf32>
    %reduce_max3A_336 = vector.multi_reduction <maximumf>, %select_n3A_332, %reduce_max3A_335 [1] : vector<80x1280xf32> to vector<80xf32>
    %broadcast_in_dim3A_337 = vector.shape_cast %reduce_max3A_336 : vector<80xf32> to vector<80x1xf32>
    %eq3A_338 = vector.broadcast %broadcast_in_dim3A_337 : vector<80x1xf32> to vector<80x1280xf32>
    %eq3A_339 = arith.cmpf oeq, %select_n3A_332, %eq3A_338 : vector<80x1280xf32>
    %jit3A_340 = arith.constant 1.000000e+00 : f32
    %jit3A_341 = arith.constant 0.000000e+00 : f32
    %broadcast_in_dim3A_342 = vector.broadcast %jit3A_340 : f32 to vector<80x1280xf32>
    %broadcast_in_dim3A_343 = vector.broadcast %jit3A_341 : f32 to vector<80x1280xf32>
    %select_n3A_344 = arith.select %eq3A_339, %broadcast_in_dim3A_342, %broadcast_in_dim3A_343 : vector<80x1280xi1>, vector<80x1280xf32>
    %reduce_sum3A_345 = arith.constant dense<0.000000e+00> : vector<80xf32>
    %reduce_sum3A_346 = vector.multi_reduction <add>, %select_n3A_344, %reduce_sum3A_345 [1] : vector<80x1280xf32> to vector<80xf32>
    %broadcast_in_dim3A_347 = vector.shape_cast %reduce_sum3A_346 : vector<80xf32> to vector<80x1xf32>
    %select_n3A_348 = arith.select %eq3A_339, %select_n3A_333, %select_n3A_332 : vector<80x1280xi1>, vector<80x1280xf32>
    %select_n3A_349 = arith.select %eq3A_339, %select_n3A_334, %select_n3A_333 : vector<80x1280xi1>, vector<80x1280xf32>
    %reduce_max3A_350 = arith.constant dense<0xFF800000> : vector<80xf32>
    %reduce_max3A_351 = vector.multi_reduction <maximumf>, %select_n3A_348, %reduce_max3A_350 [1] : vector<80x1280xf32> to vector<80xf32>
    %broadcast_in_dim3A_352 = vector.shape_cast %reduce_max3A_351 : vector<80xf32> to vector<80x1xf32>
    %eq3A_353 = vector.broadcast %broadcast_in_dim3A_352 : vector<80x1xf32> to vector<80x1280xf32>
    %eq3A_354 = arith.cmpf oeq, %select_n3A_348, %eq3A_353 : vector<80x1280xf32>
    %jit3A_355 = arith.constant 1.000000e+00 : f32
    %jit3A_356 = arith.constant 0.000000e+00 : f32
    %broadcast_in_dim3A_357 = vector.broadcast %jit3A_355 : f32 to vector<80x1280xf32>
    %broadcast_in_dim3A_358 = vector.broadcast %jit3A_356 : f32 to vector<80x1280xf32>
    %select_n3A_359 = arith.select %eq3A_354, %broadcast_in_dim3A_357, %broadcast_in_dim3A_358 : vector<80x1280xi1>, vector<80x1280xf32>
    %reduce_sum3A_360 = arith.constant dense<0.000000e+00> : vector<80xf32>
    %reduce_sum3A_361 = vector.multi_reduction <add>, %select_n3A_359, %reduce_sum3A_360 [1] : vector<80x1280xf32> to vector<80xf32>
    %broadcast_in_dim3A_362 = vector.shape_cast %reduce_sum3A_361 : vector<80xf32> to vector<80x1xf32>
    %select_n3A_363 = arith.select %eq3A_354, %select_n3A_349, %select_n3A_348 : vector<80x1280xi1>, vector<80x1280xf32>
    %reduce_max3A_364 = arith.constant dense<0xFF800000> : vector<80xf32>
    %reduce_max3A_365 = vector.multi_reduction <maximumf>, %select_n3A_363, %reduce_max3A_364 [1] : vector<80x1280xf32> to vector<80xf32>
    %broadcast_in_dim3A_366 = vector.shape_cast %reduce_max3A_365 : vector<80xf32> to vector<80x1xf32>
    %eq3A_367 = vector.broadcast %broadcast_in_dim3A_366 : vector<80x1xf32> to vector<80x1280xf32>
    %eq3A_368 = arith.cmpf oeq, %select_n3A_363, %eq3A_367 : vector<80x1280xf32>
    %jit3A_369 = arith.constant 1.000000e+00 : f32
    %jit3A_370 = arith.constant 0.000000e+00 : f32
    %broadcast_in_dim3A_371 = vector.broadcast %jit3A_369 : f32 to vector<80x1280xf32>
    %broadcast_in_dim3A_372 = vector.broadcast %jit3A_370 : f32 to vector<80x1280xf32>
    %select_n3A_373 = arith.select %eq3A_368, %broadcast_in_dim3A_371, %broadcast_in_dim3A_372 : vector<80x1280xi1>, vector<80x1280xf32>
    %reduce_sum3A_374 = arith.constant dense<0.000000e+00> : vector<80xf32>
    %reduce_sum3A_375 = vector.multi_reduction <add>, %select_n3A_373, %reduce_sum3A_374 [1] : vector<80x1280xf32> to vector<80xf32>
    %broadcast_in_dim3A_376 = vector.shape_cast %reduce_sum3A_375 : vector<80xf32> to vector<80x1xf32>
    %concatenate3A_377 = tpu.concatenate %broadcast_in_dim3A_67, %broadcast_in_dim3A_86, %broadcast_in_dim3A_109, %broadcast_in_dim3A_132, %broadcast_in_dim3A_155, %broadcast_in_dim3A_178, %broadcast_in_dim3A_201, %broadcast_in_dim3A_224, %broadcast_in_dim3A_247, %broadcast_in_dim3A_267, %broadcast_in_dim3A_286, %broadcast_in_dim3A_304, %broadcast_in_dim3A_321, %broadcast_in_dim3A_337, %broadcast_in_dim3A_352, %broadcast_in_dim3A_366 in 1 : vector<80x1xf32>, vector<80x1xf32>, vector<80x1xf32>, vector<80x1xf32>, vector<80x1xf32>, vector<80x1xf32>, vector<80x1xf32>, vector<80x1xf32>, vector<80x1xf32>, vector<80x1xf32>, vector<80x1xf32>, vector<80x1xf32>, vector<80x1xf32>, vector<80x1xf32>, vector<80x1xf32>, vector<80x1xf32> -> vector<80x16xf32>
    %concatenate3A_378 = tpu.concatenate %broadcast_in_dim3A_73, %broadcast_in_dim3A_96, %broadcast_in_dim3A_119, %broadcast_in_dim3A_142, %broadcast_in_dim3A_165, %broadcast_in_dim3A_188, %broadcast_in_dim3A_211, %broadcast_in_dim3A_234, %broadcast_in_dim3A_257, %broadcast_in_dim3A_277, %broadcast_in_dim3A_296, %broadcast_in_dim3A_314, %broadcast_in_dim3A_331, %broadcast_in_dim3A_347, %broadcast_in_dim3A_362, %broadcast_in_dim3A_376 in 1 : vector<80x1xf32>, vector<80x1xf32>, vector<80x1xf32>, vector<80x1xf32>, vector<80x1xf32>, vector<80x1xf32>, vector<80x1xf32>, vector<80x1xf32>, vector<80x1xf32>, vector<80x1xf32>, vector<80x1xf32>, vector<80x1xf32>, vector<80x1xf32>, vector<80x1xf32>, vector<80x1xf32>, vector<80x1xf32> -> vector<80x16xf32>
    %broadcast_in_dim3A_379 = arith.constant 0.000000e+00 : f32
    %broadcast_in_dim3A_380 = vector.broadcast %broadcast_in_dim3A_379 : f32 to vector<80x1xf32>
    %add3A_381 = arith.addf %broadcast_in_dim3A_380, %broadcast_in_dim3A_73 : vector<80x1xf32>
    %add3A_382 = arith.addf %add3A_381, %broadcast_in_dim3A_96 : vector<80x1xf32>
    %add3A_383 = arith.addf %add3A_382, %broadcast_in_dim3A_119 : vector<80x1xf32>
    %add3A_384 = arith.addf %add3A_383, %broadcast_in_dim3A_142 : vector<80x1xf32>
    %add3A_385 = arith.addf %add3A_384, %broadcast_in_dim3A_165 : vector<80x1xf32>
    %add3A_386 = arith.addf %add3A_385, %broadcast_in_dim3A_188 : vector<80x1xf32>
    %add3A_387 = arith.addf %add3A_386, %broadcast_in_dim3A_211 : vector<80x1xf32>
    %add3A_388 = arith.addf %add3A_387, %broadcast_in_dim3A_234 : vector<80x1xf32>
    %add3A_389 = arith.addf %add3A_388, %broadcast_in_dim3A_257 : vector<80x1xf32>
    %add3A_390 = arith.addf %add3A_389, %broadcast_in_dim3A_277 : vector<80x1xf32>
    %add3A_391 = arith.addf %add3A_390, %broadcast_in_dim3A_296 : vector<80x1xf32>
    %add3A_392 = arith.addf %add3A_391, %broadcast_in_dim3A_314 : vector<80x1xf32>
    %add3A_393 = arith.addf %add3A_392, %broadcast_in_dim3A_331 : vector<80x1xf32>
    %add3A_394 = arith.addf %add3A_393, %broadcast_in_dim3A_347 : vector<80x1xf32>
    %add3A_395 = arith.addf %add3A_394, %broadcast_in_dim3A_362 : vector<80x1xf32>
    %add3A_396 = arith.addf %add3A_395, %broadcast_in_dim3A_376 : vector<80x1xf32>
    %concatenate3A_397 = tpu.concatenate %add3A_381, %add3A_382, %add3A_383, %add3A_384, %add3A_385, %add3A_386, %add3A_387, %add3A_388, %add3A_389, %add3A_390, %add3A_391, %add3A_392, %add3A_393, %add3A_394, %add3A_395, %add3A_396 in 1 : vector<80x1xf32>, vector<80x1xf32>, vector<80x1xf32>, vector<80x1xf32>, vector<80x1xf32>, vector<80x1xf32>, vector<80x1xf32>, vector<80x1xf32>, vector<80x1xf32>, vector<80x1xf32>, vector<80x1xf32>, vector<80x1xf32>, vector<80x1xf32>, vector<80x1xf32>, vector<80x1xf32>, vector<80x1xf32> -> vector<80x16xf32>
    %ge3A = arith.constant 1.600000e+01 : f32
    %ge3A_398 = vector.broadcast %ge3A : f32 to vector<80x16xf32>
    %ge3A_399 = arith.cmpf oge, %concatenate3A_397, %ge3A_398 : vector<80x16xf32>
    %sub3A_400 = arith.subf %concatenate3A_397, %concatenate3A_378 : vector<80x16xf32>
    %lt3A = arith.constant 1.600000e+01 : f32
    %lt3A_401 = vector.broadcast %lt3A : f32 to vector<80x16xf32>
    %lt3A_402 = arith.cmpf olt, %sub3A_400, %lt3A_401 : vector<80x16xf32>
    %and3A = arith.andi %ge3A_399, %lt3A_402 : vector<80x16xi1>
    %jit3A_403 = arith.constant -2.000000e+00 : f32
    %broadcast_in_dim3A_404 = vector.broadcast %jit3A_403 : f32 to vector<80x16xf32>
    %select_n3A_405 = arith.select %and3A, %concatenate3A_377, %broadcast_in_dim3A_404 : vector<80x16xi1>, vector<80x16xf32>
    %reduce_max3A_406 = arith.constant dense<0xFF800000> : vector<80xf32>
    %reduce_max3A_407 = vector.multi_reduction <maximumf>, %select_n3A_405, %reduce_max3A_406 [1] : vector<80x16xf32> to vector<80xf32>
    %broadcast_in_dim3A_408 = vector.shape_cast %reduce_max3A_407 : vector<80xf32> to vector<80x1xf32>
    %gt3A = vector.broadcast %broadcast_in_dim3A_408 : vector<80x1xf32> to vector<80x16xf32>
    %gt3A_409 = arith.cmpf ogt, %concatenate3A_377, %gt3A : vector<80x16xf32>
    %jit3A_410 = arith.constant 0.000000e+00 : f32
    %broadcast_in_dim3A_411 = vector.broadcast %jit3A_410 : f32 to vector<80x16xf32>
    %select_n3A_412 = arith.select %gt3A_409, %concatenate3A_378, %broadcast_in_dim3A_411 : vector<80x16xi1>, vector<80x16xf32>
    %reduce_sum3A_413 = arith.constant dense<0.000000e+00> : vector<80xf32>
    %reduce_sum3A_414 = vector.multi_reduction <add>, %select_n3A_412, %reduce_sum3A_413 [1] : vector<80x16xf32> to vector<80xf32>
    %broadcast_in_dim3A_415 = vector.shape_cast %reduce_sum3A_414 : vector<80xf32> to vector<80x1xf32>
    %sub3A_416 = arith.constant 1.600000e+01 : f32
    %sub3A_417 = vector.broadcast %sub3A_416 : f32 to vector<80x1xf32>
    %sub3A_418 = arith.subf %sub3A_417, %broadcast_in_dim3A_415 : vector<80x1xf32>
    %iota3A = tpu.iota {dimensions = array<i32: 1>} : vector<80x10000xi32>
    %convert_element_type3A = arith.sitofp %iota3A : vector<80x10000xi32> to vector<80x10000xf32>
    %eq3A_419 = vector.broadcast %broadcast_in_dim3A_408 : vector<80x1xf32> to vector<80x10000xf32>
    %eq3A_420 = arith.cmpf oeq, %add3A, %eq3A_419 : vector<80x10000xf32>
    %broadcast_in_dim3A_421 = arith.constant -1.000000e+00 : f32
    %broadcast_in_dim3A_422 = vector.broadcast %broadcast_in_dim3A_421 : f32 to vector<80x1xf32>
    %broadcast_in_dim3A_423 = arith.constant 0.000000e+00 : f32
    %broadcast_in_dim3A_424 = vector.broadcast %broadcast_in_dim3A_423 : f32 to vector<80x1xf32>
    %while3A:2 = scf.while (%while3A_434 = %broadcast_in_dim3A_422, %while3A_435 = %broadcast_in_dim3A_424) : (vector<80x1xf32>, vector<80x1xf32>) -> (vector<80x1xf32>, vector<80x1xf32>) {
      %lt3A_436 = arith.cmpf olt, %while3A_435, %sub3A_418 : vector<80x1xf32>
      %reduce_or3A = arith.constant 1.000000e+00 : f32
      %reduce_or3A_437 = arith.constant 0.000000e+00 : f32
      %reduce_or3A_438 = vector.broadcast %reduce_or3A : f32 to vector<80x1xf32>
      %reduce_or3A_439 = vector.broadcast %reduce_or3A_437 : f32 to vector<80x1xf32>
      %reduce_or3A_440 = arith.select %lt3A_436, %reduce_or3A_438, %reduce_or3A_439 : vector<80x1xi1>, vector<80x1xf32>
      %reduce_or3A_441 = vector.shape_cast %reduce_or3A_440 : vector<80x1xf32> to vector<1x80x1xf32>
      %reduce_or3A_442 = arith.constant dense<0xFF800000> : vector<1xf32>
      %reduce_or3A_443 = vector.multi_reduction <maximumf>, %reduce_or3A_441, %reduce_or3A_442 [1, 2] : vector<1x80x1xf32> to vector<1xf32>
      %reduce_or3A_444 = vector.shape_cast %reduce_or3A_443 : vector<1xf32> to vector<1x1x1xf32>
      %reduce_or3A_445 = vector.extract %reduce_or3A_444[0, 0, 0] : f32 from vector<1x1x1xf32>
      %reduce_or3A_446 = arith.constant 0.000000e+00 : f32
      %reduce_or3A_447 = arith.cmpf ogt, %reduce_or3A_445, %reduce_or3A_446 : f32
      scf.condition(%reduce_or3A_447) %while3A_434, %while3A_435 : vector<80x1xf32>, vector<80x1xf32>
    } do {
    ^bb0(%while3A_434: vector<80x1xf32>, %while3A_435: vector<80x1xf32>):
      %gt3A_436 = vector.broadcast %while3A_434 : vector<80x1xf32> to vector<80x10000xf32>
      %gt3A_437 = arith.cmpf ogt, %convert_element_type3A, %gt3A_436 : vector<80x10000xf32>
      %and3A_438 = arith.andi %eq3A_420, %gt3A_437 : vector<80x10000xi1>
      %jit3A_439 = arith.constant 2.000000e+04 : f32
      %broadcast_in_dim3A_440 = vector.broadcast %jit3A_439 : f32 to vector<80x10000xf32>
      %select_n3A_441 = arith.select %and3A_438, %convert_element_type3A, %broadcast_in_dim3A_440 : vector<80x10000xi1>, vector<80x10000xf32>
      %reduce_min3A = arith.constant dense<0x7F800000> : vector<80xf32>
      %reduce_min3A_442 = vector.multi_reduction <minimumf>, %select_n3A_441, %reduce_min3A [1] : vector<80x10000xf32> to vector<80xf32>
      %broadcast_in_dim3A_443 = vector.shape_cast %reduce_min3A_442 : vector<80xf32> to vector<80x1xf32>
      %lt3A_444 = arith.cmpf olt, %while3A_435, %sub3A_418 : vector<80x1xf32>
      %select_n3A_445 = arith.select %lt3A_444, %broadcast_in_dim3A_443, %while3A_434 : vector<80x1xi1>, vector<80x1xf32>
      %jit3A_446 = arith.constant 1.000000e+00 : f32
      %jit3A_447 = arith.constant 0.000000e+00 : f32
      %broadcast_in_dim3A_448 = vector.broadcast %jit3A_446 : f32 to vector<80x1xf32>
      %broadcast_in_dim3A_449 = vector.broadcast %jit3A_447 : f32 to vector<80x1xf32>
      %select_n3A_450 = arith.select %lt3A_444, %broadcast_in_dim3A_448, %broadcast_in_dim3A_449 : vector<80x1xi1>, vector<80x1xf32>
      %add3A_451 = arith.addf %while3A_435, %select_n3A_450 : vector<80x1xf32>
      scf.yield %select_n3A_445, %add3A_451 : vector<80x1xf32>, vector<80x1xf32>
    }
    %gt3A_425 = vector.broadcast %broadcast_in_dim3A_408 : vector<80x1xf32> to vector<80x10000xf32>
    %gt3A_426 = arith.cmpf ogt, %add3A, %gt3A_425 : vector<80x10000xf32>
    %le3A = vector.broadcast %while3A#0 : vector<80x1xf32> to vector<80x10000xf32>
    %le3A_427 = arith.cmpf ole, %convert_element_type3A, %le3A : vector<80x10000xf32>
    %and3A_428 = arith.andi %eq3A_420, %le3A_427 : vector<80x10000xi1>
    %or3A = arith.ori %gt3A_426, %and3A_428 : vector<80x10000xi1>
    %jit3A_429 = arith.constant 0.000000e+00 : f32
    %broadcast_in_dim3A_430 = vector.broadcast %jit3A_429 : f32 to vector<80x10000xf32>
    %select_n3A_431 = arith.select %or3A, %max3A_17, %broadcast_in_dim3A_430 : vector<80x10000xi1>, vector<80x10000xf32>
    %swap3A = arith.constant 0 : index
    %swap3A_432 = arith.constant 0 : index
    %swap3A_433 = vector.load %arg6[%swap3A, %swap3A_432] : memref<80x10000xf32, #tpu.memory_space<vmem>>, vector<80x10000xf32>
    tpu.vector_store %arg6[%swap3A, %swap3A_432], %select_n3A_431 {strides = array<i32>} : memref<80x10000xf32, #tpu.memory_space<vmem>>, vector<80x10000xf32>,
    return
  }
  func.func @transform_0(%arg0: i32) -> (i32, i32) {
    %c0_i32 = arith.constant 0 : i32
    %c0_i32_0 = arith.constant 0 : i32
    %c0_i32_1 = arith.constant 0 : i32
    return %c0_i32, %c0_i32_0 : i32, i32
  }
  func.func @transform_1(%arg0: i32) -> (i32, i32) {
    %c0_i32 = arith.constant 0 : i32
    %c0_i32_0 = arith.constant 0 : i32
    %c0_i32_1 = arith.constant 0 : i32
    return %c0_i32, %c0_i32_0 : i32, i32
  }
  func.func @transform_2(%arg0: i32) -> (i32, i32) {
    %c0_i32 = arith.constant 0 : i32
    %c0_i32_0 = arith.constant 0 : i32
    return %arg0, %c0_i32 : i32, i32
  }
  func.func @transform_3(%arg0: i32) -> (i32, i32) {
    %c0_i32 = arith.constant 0 : i32
    %c0_i32_0 = arith.constant 0 : i32
    return %arg0, %c0_i32 : i32, i32
  }
  func.func @transform_4(%arg0: i32) -> (i32, i32) {
    %c0_i32 = arith.constant 0 : i32
    %c0_i32_0 = arith.constant 0 : i32
    return %arg0, %c0_i32 : i32, i32
  }
  func.func @transform_5(%arg0: i32) -> (i32, i32) {
    %c0_i32 = arith.constant 0 : i32
    %c0_i32_0 = arith.constant 0 : i32
    return %arg0, %c0_i32 : i32, i32
  }
}

module attributes {stable_mosaic.version = 14 : i64} {
  func.func @_nodevec_kernel(%arg0: memref<10000x128xf32, #tpu.memory_space<vmem>>, %arg1: memref<10000x128xf32, #tpu.memory_space<vmem>>, %arg2: memref<128x128xf32, #tpu.memory_space<vmem>>, %arg3: memref<1x128xf32, #tpu.memory_space<vmem>>, %arg4: memref<128x128xf32, #tpu.memory_space<vmem>>, %arg5: memref<1x128xf32, #tpu.memory_space<vmem>>, %arg6: memref<10000x128xf32, #tpu.memory_space<vmem>>, %arg7: memref<10000x128xf32, #tpu.memory_space<vmem>>) attributes {dimension_semantics = [], scalar_prefetch = 0 : i64, scratch_operands = 0 : i64, tpu.core_type = #tpu.core_type<tc>} {
    %get3A = arith.constant 0 : index
    %get3A_0 = arith.constant 0 : index
    %get3A_1 = vector.load %arg0[%get3A, %get3A_0] : memref<10000x128xf32, #tpu.memory_space<vmem>>, vector<10000x128xf32>
    %get3A_2 = arith.constant 0 : index
    %get3A_3 = arith.constant 0 : index
    %get3A_4 = vector.load %arg2[%get3A_2, %get3A_3] : memref<128x128xf32, #tpu.memory_space<vmem>>, vector<128x128xf32>
    %dot_general3A = arith.constant dense<0.000000e+00> : vector<10000x128xf32>
    %dot_general3A_5 = tpu.matmul %get3A_1, %get3A_4, %dot_general3A {dimension_numbers = #tpu.dot_dimension_numbers<[1], [1], [0], [0], [0, 0, 1, 0], [], []>, transpose_lhs_hint = false} : vector<10000x128xf32>, vector<128x128xf32>, vector<10000x128xf32> -> vector<10000x128xf32>
    %get3A_6 = arith.constant 0 : index
    %get3A_7 = arith.constant 0 : index
    %get3A_8 = vector.load %arg3[%get3A_6, %get3A_7] : memref<1x128xf32, #tpu.memory_space<vmem>>, vector<1x128xf32>
    %add3A = vector.broadcast %get3A_8 : vector<1x128xf32> to vector<10000x128xf32>
    %add3A_9 = arith.addf %dot_general3A_5, %add3A : vector<10000x128xf32>
    %mul3A = arith.constant 3.000000e+00 : f32
    %mul3A_10 = vector.broadcast %mul3A : f32 to vector<10000x128xf32>
    %mul3A_11 = arith.mulf %mul3A_10, %add3A_9 : vector<10000x128xf32>
    %tanh3A = math.tanh %mul3A_11 : vector<10000x128xf32>
    %swap3A = arith.constant 0 : index
    %swap3A_12 = arith.constant 0 : index
    %swap3A_13 = vector.load %arg6[%swap3A, %swap3A_12] : memref<10000x128xf32, #tpu.memory_space<vmem>>, vector<10000x128xf32>
    tpu.vector_store %arg6[%swap3A, %swap3A_12], %tanh3A {strides = array<i32>} : memref<10000x128xf32, #tpu.memory_space<vmem>>, vector<10000x128xf32>,
    %get3A_14 = arith.constant 0 : index
    %get3A_15 = arith.constant 0 : index
    %get3A_16 = vector.load %arg1[%get3A_14, %get3A_15] : memref<10000x128xf32, #tpu.memory_space<vmem>>, vector<10000x128xf32>
    %get3A_17 = arith.constant 0 : index
    %get3A_18 = arith.constant 0 : index
    %get3A_19 = vector.load %arg4[%get3A_17, %get3A_18] : memref<128x128xf32, #tpu.memory_space<vmem>>, vector<128x128xf32>
    %dot_general3A_20 = arith.constant dense<0.000000e+00> : vector<10000x128xf32>
    %dot_general3A_21 = tpu.matmul %get3A_16, %get3A_19, %dot_general3A_20 {dimension_numbers = #tpu.dot_dimension_numbers<[1], [1], [0], [0], [0, 0, 1, 0], [], []>, transpose_lhs_hint = false} : vector<10000x128xf32>, vector<128x128xf32>, vector<10000x128xf32> -> vector<10000x128xf32>
    %get3A_22 = arith.constant 0 : index
    %get3A_23 = arith.constant 0 : index
    %get3A_24 = vector.load %arg5[%get3A_22, %get3A_23] : memref<1x128xf32, #tpu.memory_space<vmem>>, vector<1x128xf32>
    %add3A_25 = vector.broadcast %get3A_24 : vector<1x128xf32> to vector<10000x128xf32>
    %add3A_26 = arith.addf %dot_general3A_21, %add3A_25 : vector<10000x128xf32>
    %mul3A_27 = arith.constant 3.000000e+00 : f32
    %mul3A_28 = vector.broadcast %mul3A_27 : f32 to vector<10000x128xf32>
    %mul3A_29 = arith.mulf %mul3A_28, %add3A_26 : vector<10000x128xf32>
    %tanh3A_30 = math.tanh %mul3A_29 : vector<10000x128xf32>
    %swap3A_31 = arith.constant 0 : index
    %swap3A_32 = arith.constant 0 : index
    %swap3A_33 = vector.load %arg7[%swap3A_31, %swap3A_32] : memref<10000x128xf32, #tpu.memory_space<vmem>>, vector<10000x128xf32>
    tpu.vector_store %arg7[%swap3A_31, %swap3A_32], %tanh3A_30 {strides = array<i32>} : memref<10000x128xf32, #tpu.memory_space<vmem>>, vector<10000x128xf32>,
    return
  }
}

</mosaic_0001>

<sc_bundles>
// kernel: gather_offload_async_start.1
scs
__scs_entry_jumppad:
0x0: {  	(pc) =	sbr.rel $0x88, $3  }
0x1: {  	(tag) =	ssettag $0x0;
	lr =	simm.s32 $0x1  }
0x2: {  	[smem:$0x3F9A] =	sst lr;
	_ =	strace $0xD0000000  }
0x3: {  	_ = 	snop  }
0x4: {  	_ = 	snop  }
0x5: {  	_ = 	snop  }
0x6: {  	_ = 	snop  }
0x7: {  	_ = 	snop  }
__scs_overlays_trampoline_lowered:
0x8: {  	[smem:$0x3FA9] =	sst s0  }
0x9: {  	[smem:$0x3FAA] =	sst s1  }
0xa: {  	[smem:$0x3FAB] =	sst s2  }
0xb: {  	[smem:$0x3FAC] =	sst s3  }
0xc: {  	[smem:$0x3FAD] =	sst s4  }
0xd: {  	[smem:$0x3FAE] =	sst s5  }
0xe: {  	[smem:$0x3FAF] =	sst s6  }
0xf: {  	[smem:$0x3FB0] =	sst s7  }
0x10: {  	[smem:$0x3FB1] =	sst s8  }
0x11: {  	[smem:$0x3FB2] =	sst s9;
	s0 =	simm.s32 @!p0 $0x0  }
0x12: {  	s1 =	sld [smem:$0x3F98];
	s0 =	simm.s32 @p0 $0x1  }
0x13: {  	[smem:$0x3FB3] =	sst s0;
	s0 =	simm.s32 @!p1 $0x0  }
0x14: {  	s2 =	sld [smem:$0x3F97];
	s0 =	simm.s32 @p1 $0x1  }
0x15: {  	[smem:$0x3FB4] =	sst s0;
	s0 =	simm.s32 @!p2 $0x0  }
0x16: {  	s3 =	sld [smem:$0x3FDB];
	s0 =	simm.s32 @p2 $0x1  }
0x17: {  	s4 =	simm.s32 $0x1BF5;
	[smem:$0x3FB6] =	sst s0  }
0x18: {  	s0 =	sld [smem:$0x3F99];
	_ =	swait.ge [sflag:s4], $0x0  }
0x19: {  	s7 =	sld [smem:$0x3F9A]  }
0x1a: {  	s8 =	sadd.s32 $0xFFFFE003, lr  }
0x1b: {  	s9 =	sadd.s32 $0xFFFFFEF7, lr;
	s5 =	simm.s32 $0xFFFFFFFF;
	p2 =	slt.u32 s8, $0xFFFFF086  }
0x1c: {  	p1 =	slt.u32 s9, $0xF7A;
	s5 =	simm.s32 @!p2 $0x0  }
0x1d: {  	s5 =	simm.s32 @p1 $0x1;
	p0 =	seq.s32 s7, s2  }
0x1e: {  	s7 =	smul.u32 @!p0 $0xF7A, s2;
	p2 =	seq.s32 @!p0 s5, $0x0  }
0x1f: {  	s9 =	smul.u32 $0xF7A, s1;
	s8 =	simm.s32 @!p0 $0x1BF5;
	p2 =	por !p2, p0  }
0x20: {  	[sflag:s8] =	ssyncset.s32 @!p0 $0xFFFFF086;
	s6 =	sadd.s32 @!p0 s3, s7;
	s7 =	simm.s32 @!p0 $0x108  }
0x21: {  	s3 =	sadd.s32 s3, s9;
	s6 =	sadd.s32 @!p0 $0x88, s6;
	s7 =	simm.s32 @p2 $0x1082  }
0x22: {  	[simem:s7], [sflag:s8] =	dma.local @!p0 [hbm:s6], $0xF7A  }
0x23: {  	s9 =	sor.u32 $0xD0000000, s2;
	s6 =	simm.s32 $0x108;
	_ =	swait.ge @!p0 [sflag:s8], $0x0  }
0x24: {  	s3 =	sadd.s32 $0x88, s3;
	s6 =	simm.s32 @!p1 $0x1082;
	[sflag:s4] =	ssyncset.s32 $0xFFFFF086  }
0x25: {  	[simem:s6], [sflag:s4] =	dma.local [hbm:s3], $0xF7A  }
0x26: {  	[smem:$0x3F9A] =	sst s1;
	(tag) =	ssettag s2;
	_ =	strace s9  }
0x27: {  	s1 =	sld [smem:$0x3FAA]  }
0x28: {  	s2 =	sld [smem:$0x3FAB]  }
0x29: {  	s4 =	sld [smem:$0x3FAD]  }
0x2a: {  	p0 =	seq.s32 s5, $0x0;
	s5 =	sld [smem:$0x3FAE]  }
0x2b: {  	s6 =	sld [smem:$0x3FAF]  }
0x2c: {  	s7 =	sld [smem:$0x3FB0]  }
0x2d: {  	s3 =	simm.s32 $0x108;
	s8 =	sld [smem:$0x3FB1]  }
0x2e: {  	s3 =	simm.s32 @!p0 $0x1082;
	s9 =	sld [smem:$0x3FB2]  }
0x2f: {  	lr =	sadd.s32 s0, s3;
	s0 =	sld [smem:$0x3FA9]  }
0x30: {  	s3 =	sld [smem:$0x3FAC]  }
0x31: {  	[smem:$0x3FB5] =	sst s10  }
0x32: {  	s10 =	sld [smem:$0x3FB3];
	_ =	sdelay $0x3  }
0x33: {  	p0 =	seq.s32 s10, $0x1;
	s10 =	sld [smem:$0x3FB5];
	_ =	sdelay $0x3  }
0x34: {  	[smem:$0x3FB5] =	sst s10  }
0x35: {  	s10 =	sld [smem:$0x3FB4];
	_ =	sdelay $0x3  }
0x36: {  	p1 =	seq.s32 s10, $0x1;
	s10 =	sld [smem:$0x3FB5];
	_ =	sdelay $0x3  }
0x37: {  	[smem:$0x3FB5] =	sst s10  }
0x38: {  	s10 =	sld [smem:$0x3FB6]  }
0x39: {  	_ = 	snop;
	(pc) =	sbr.ind lr, $3  }
0x3a: {  	_ = 	snop  }
0x3b: {  	_ = 	snop  }
0x3c: {  	p2 =	seq.s32 s10, $0x1;
	s10 =	sld [smem:$0x3FB5]  }
0x3d: {  	_ =	shalt  }
0x3e: {  	_ =	shalt  }
0x3f: {  	_ =	shalt  }
0x40: {  	_ =	shalt  }
0x41: {  	_ =	shalt  }
0x42: {  	_ =	shalt  }
0x43: {  	_ =	shalt  }
0x44: {  	_ =	shalt  }
0x45: {  	_ =	shalt  }
0x46: {  	_ =	shalt  }
0x47: {  	_ =	shalt  }
0x48: {  	_ =	shalt  }
0x49: {  	_ =	shalt  }
0x4a: {  	_ =	shalt  }
0x4b: {  	_ =	shalt  }
0x4c: {  	_ =	shalt  }
0x4d: {  	_ =	shalt  }
0x4e: {  	_ =	shalt  }
0x4f: {  	_ =	shalt  }
0x50: {  	_ =	shalt  }
0x51: {  	_ =	shalt  }
0x52: {  	_ =	shalt  }
0x53: {  	_ =	shalt  }
0x54: {  	_ =	shalt  }
0x55: {  	_ =	shalt  }
0x56: {  	_ =	shalt  }
0x57: {  	_ =	shalt  }
0x58: {  	_ =	shalt  }
0x59: {  	_ =	shalt  }
0x5a: {  	_ =	shalt  }
0x5b: {  	_ =	shalt  }
0x5c: {  	_ =	shalt  }
0x5d: {  	_ =	shalt  }
0x5e: {  	_ =	shalt  }
0x5f: {  	_ =	shalt  }
0x60: {  	_ =	shalt  }
0x61: {  	_ =	shalt  }
0x62: {  	_ =	shalt  }
0x63: {  	_ =	shalt  }
0x64: {  	_ =	shalt  }
0x65: {  	_ =	shalt  }
0x66: {  	_ =	shalt  }
0x67: {  	_ =	shalt  }
0x68: {  	_ =	shalt  }
0x69: {  	_ =	shalt  }
0x6a: {  	_ =	shalt  }
0x6b: {  	_ =	shalt  }
0x6c: {  	_ =	shalt  }
0x6d: {  	_ =	shalt  }
0x6e: {  	_ =	shalt  }
0x6f: {  	_ =	shalt  }
0x70: {  	_ =	shalt  }
0x71: {  	_ =	shalt  }
0x72: {  	_ =	shalt  }
0x73: {  	_ =	shalt  }
0x74: {  	_ =	shalt  }
0x75: {  	_ =	shalt  }
0x76: {  	_ =	shalt  }
0x77: {  	_ =	shalt  }
0x78: {  	_ =	shalt  }
0x79: {  	_ =	shalt  }
0x7a: {  	_ =	shalt  }
0x7b: {  	_ =	shalt  }
0x7c: {  	_ =	shalt  }
0x7d: {  	_ =	shalt  }
0x7e: {  	_ =	shalt  }
0x7f: {  	_ =	shalt  }
0x80: {  	_ =	shalt  }
0x81: {  	_ =	shalt  }
0x82: {  	_ =	shalt  }
0x83: {  	_ =	shalt  }
0x84: {  	_ =	shalt  }
0x85: {  	_ =	shalt  }
0x86: {  	_ =	shalt  }
0x87: {  	_ =	shalt  }
.Lfunc_end0:
.L_simem_size_0:
called_computation.1_lowered:
.L_overlay_start_0:
0x88: {  	s0 =	sld [smem:$0x3FD9]  }
0x89: {  	s1 =	sld [smem:$0x3FFE];
	_ =	sdelay $0x3  }
0x8a: {  	s0 =	sadd.s32 s1, s0  }
0x8b: {  	[smem:$0x3FC1] =	sst s0  }
0x8c: {  	_ = 	snop  }
0x8d: {  	s0 =	sld [smem:$0x3FC7];
	(tm) =	ssettm $0x1  }
0x8e: {  	s16 =	sld [smem:$0x3FFB];
	_ =	sdelay $0x3  }
0x8f: {  	_ =	strace s16  }
0x90: {  	s1 =	sld [smem:$0x3FFC];
	_ =	sdelay $0x3  }
0x91: {  	_ =	strace s1  }
0x92: {  	s1 =	sld [smem:$0x3FFD];
	_ =	sdelay $0x3  }
0x93: {  	_ =	strace s1  }
0x94: {  	_ =	strace $0x8FFFFFFF  }
0x95: {  	s17 =	sld [smem:$0x3FDB];
	_ =	sdelay $0x1  }
0x96: {  	s2 =	simm.s32 $_scs_section_size  }
0x97: {  	s3 =	simm.s32 $_size__tile_overlayer_lowered;
	s4 =	simm.s32 $_tile_overlayer_lowered  }
0x98: {  	s20 =	simm.s32 $0x1BFF;
	s19 =	sshll.u32 s4, $0x1;
	s1 =	sadd.s32 s2, s17  }
0x99: {  	s5 =	simm.s32 $0x0;
	s18 =	sshll.u32 s3, $0x1;
	s3 =	sadd.s32 s19, s1  }
0x9a: {  	[timem:s5], [sflag:s20] =	dma.local [hbm:s3], s18  }
0x9b: {  	_ =	swait.ge [sflag:s20], s18  }
0x9c: {  	s2 =	ssub.s32 $0x0, s18;
	[sflag:s20] =	ssyncset.done $0x0  }
0x9d: {  	[sflag:s20] =	ssyncadd.s32 s2;
	_ =	sdelay $0x1  }
0x9e: {  	s21 =	simm.s32 $0x1B8B  }
0x9f: {  	_ =	swait.ge [sflag:s21], $0x1  }
0xa0: {  	[sflag:s21] =	ssyncset.done $0x0  }
0xa1: {  	s23 =	simm.s32 $0x1B8E;
	s22 =	sld [smem:$0x3FFE];
	[sflag:s21] =	ssyncadd.s32 $0xFFFFFFFF  }
0xa2: {  	s24 =	simm.s32 $execute0_lowered;
	[smem:$0x3FD2] =	sst s23  }
0xa3: {  	s3 =	sshll.u32 s24, $0x1;
	_ =	strace $0x80000046;
	[dreg:$0x1] =	wrdreg $0xFFFFFFFF  }
0xa4: {  	s25 =	simm.s32 $_size_execute0_lowered;
	s1 =	sadd.s32 s1, s3;
	[dreg:$0x0] =	wrdreg $0x0  }
0xa5: {  	s3 =	sshll.u32 s25, $0x1;
	[dreg:$0x2] =	wrdreg s1  }
0xa6: {  	[dreg:$0x3] =	wrdreg s3  }
0xa7: {  	[dreg:$0x4] =	wrdreg $0xC0  }
0xa8: {  	_ =	task [dreg:s5], $0x5FFFF  }
0xa9: {  	[dreg:$0x1] =	wrdreg $0xFFFFFFFF  }
0xaa: {  	[dreg:$0x0] =	wrdreg $0x60  }
0xab: {  	[dreg:$0x2] =	wrdreg s0  }
0xac: {  	[dreg:$0x3] =	wrdreg s22  }
0xad: {  	[dreg:$0x4] =	wrdreg $0xA  }
0xae: {  	_ =	task.clear_ibuf [dreg:s5], $0x5FFFF;
	_ =	strace $0x90000046  }
0xaf: {  	s26 =	simm.s32 $0xA;
	_ =	strace $0x80000048  }
0xb0: {  	_ =	swait.ge [sflag:s26], $0x1  }
0xb1: {  	[sflag:s26] =	ssyncadd.s32 $0xFFFFFFFF  }
0xb2: {  	_ =	strace $0x90000048  }
0xb3: {  	_ =	sfence  }
0xb4: {  	s28 =	sld [smem:$0x0];
	_ =	sdelay $0x1  }
0xb5: {  	s29 =	srdreg.scid  }
0xb6: {  	s30 =	sshll.u32 s29, $0xD;
	s31 =	sshrl.u32 s29, $0x2  }
0xb7: {  	s2 =	sand.u32 $0x4000, s30;
	s1 =	sand.u32 $0x1, s29;
	s0 =	sadd.s32 s31, s28  }
0xb8: {  	s1 =	sor.u32 s2, s1;
	s0 =	sshll.u32 s0, $0x11  }
0xb9: {  	s0 =	sor.u32 s0, s1  }
0xba: {  	s0 =	sadd.s32 $0x8F2B, s0  }
0xbb: {  	[sflag:s0] =	ssyncadd.remote.s32 $0x1  }
0xbc: {  	_ =	sfence.sel $0xFFFF  }
0xbd: {  	[dreg:$0x0] =	wrdreg $0xFFFFFFFF;
	(pc) =	sbr.abs _section_cstart, $3  }
0xbe: {  	[dreg:$0x1] =	wrdreg $0xFFFFFFFF  }
0xbf: {  	_ =	task.clear_ibuf [dreg:s5], $0x2FFFF;
	_ =	strace $0x9FFFFFFF  }
0xc0: {  	(tm) =	ssettm $0x7FFFFFFF  }
0xc1: {  	_ =	shalt  }
tec
execute0_lowered:
.L_overlay_start_1:
0x0: {  	(tag) =	ssettag $0x1  }
0x1: {  	s0 =	stileid.u32  }
0x2: {  	s1 =	smin.u32 s0, $0x9  }
0x3: {  	s1 =	sadd.s32 s0, s1  }
0x4: {  	s2 =	simm.s32 $0x320;
	p0 =	slt.u32 s0, $0x9;
	s1 =	smul.u32 $0x190, s1  }
0x5: {  	s2 =	simm.s32 @!p0 $0x190  }
0x6: {  	s2 =	sadd.s32 s2, s1  }
0x7: {  	s3 =	smin.u32 s2, $0x2710  }
0x8: {  	s7 =	ssub.s32 s3, s1  }
0x9: {  	p0 =	sgt.s32 s7, $0x0  }
0xa: {  	s7 =	simm.s32 @!p0 $0x0  }
0xb: {  	s31 =	sand.u32 $0xFFF0, s7  }
0xc: {  	s2 =	sshrl.u32 s31, $0x4  }
0xd: {  	s4 =	rddreg [dreg:$0x0];
	s2 =	smul.u32 $0xA3E, s2  }
0xe: {  	s9 =	rddreg [dreg:$0x1];
	s6 =	simm.s32 $0x1  }
0xf: {  	s11 =	simm.s32 $0x3;
	s13 =	simm.s32 $0x0;
	s8 =	sshrl.u32 s2, $0x10  }
0x10: {  	s12 =	simm.s32 $0x0;
	s5 =	sadd.s32 $0x1600, s9;
	s10 =	smul.u32 $0x190, s8  }
.Ltmp0:
0x11: {  	s9 =	sadd.s32 $0x1C00, s9;
	s2 =	rddreg [dreg:$0x2];
	(pc) =	sbr.rel .LBB2_1-.Ltmp0, $4  }
0x12: {  	_ =	strace $0x80000047;
	p0 =	sne.s32 s7, s10;
	s10 =	simm.s32 $0x1  }
0x13: {  	[sflag:s6] =	ssyncpa.u1 $0x0;
	s7 =	simm.s32 $0x2;
	s10 =	simm.s32 @!p0 $0x0  }
0x14: {  	[sflag:s7] =	ssyncpa.u1 $0x0;
	p0 =	por $0x0, $0x0;
	s8 =	sadd.s32 s8, s10  }
0x15: {  	vm0 =	vmmov $0xff;
	vm1 =	vcmask $0x3F20;
	[sflag:s11] =	ssyncpa.u1 $0x0;
	s11 =	smov.u32 s1;
	s10 =	sadd.s32 $0x1, s8  }
.LBB2_6:
0x16: {  	[hbm:s17] =	stream.linear.scatter [tilespmem:s14], [sflag:$0x3], $0x400, $0x38;
	[tilespmem:$0x19320] =	vst v63  }
.LBB2_7:
0x17: {  	s13 =	sadd.s32 $0x190, s11  }
0x18: {  	s15 =	smov.u32 s1;
	p2 =	slt.s32 s13, s3  }
0x19: {  	s15 =	smov.u32 @p2 s13;
	p2 =	sne.s32 s12, s10  }
.Ltmp1:
0x1a: {  	p1 =	slt.u32 s12, $0x2;
	(pc) =	sbr.rel @!p2 .LBB2_8-.Ltmp1, $4  }
0x1b: {  	s14 =	simm.s32 @!p1 $0x3  }
0x1c: {  	s16 =	sadd.s32 $0x1, s12;
	_ =	swait.ge @!p1 [sflag:s14], $0xC800  }
0x1d: {  	p0 =	por !p0, !p0;
	s13 =	smov.u32 s11;
	[sflag:s14] =	ssyncset.done @!p1 $0x0  }
0x1e: {  	s12 =	smov.u32 s16;
	s11 =	smov.u32 s15;
	[sflag:s14] =	ssyncadd.s32 @!p1 $0xFFFF3800  }
.LBB2_1:
0x1f: {  	p1 =	sge.u32 s12, s8  }
0x20: {  	s14 =	sxor.u32 @!p1 $0xFFFFFFFF, s12  }
0x21: {  	s14 =	sand.u32 @!p1 $0x1, s14  }
0x22: {  	s14 =	smul.u32 @!p1 $0x640, s14  }
0x23: {  	s31 =	sadd.s32 $0xFFFFFFFF, s12;
	s15 =	sshrl.u32 @!p1 s11, $0x3  }
0x24: {  	s16 =	sand.u32 @!p1 $0x7, s11;
	s15 =	sadd.s32 @!p1 s5, s15;
	s14 =	sshrl.u32 @!p1 s14, $0x2  }
0x25: {  	[tilespmem:s14], [sflag:$0x2] =	stream.linear.gather @!p1 [hbm4b:s15+s16], $0x190, $0x38;
	[tilespmem:$0x19320] =	vst v63  }
0x26: {  	p1 =	sge.u32 s31, s8  }
.Ltmp2:
0x27: {  	_ = 	snop;
	(pc) =	sbr.rel @p1 .LBB2_7-.Ltmp2, $1  }
0x28: {  	_ =	sdelay $0x3  }
0x29: {  	s14 =	simm.s32 $0x1  }
0x2a: {  	s14 =	simm.s32 @!p0 $0x0  }
0x2b: {  	s15 =	smul.u32 $0x640, s14  }
0x2c: {  	_ =	swait.ge [sflag:s7], $0x190  }
0x2d: {  	[sflag:s7] =	ssyncset.done $0x0;
	s16 =	sshrl.u32 s15, $0x2  }
0x2e: {  	[sflag:s7] =	ssyncadd.s32 $0xFFFFFE70;
	s15 =	sadd.s32 $0x0, s16  }
0x2f: {  	v0 =	vld.msk [tilespmem:s15+$0x0 ss:$0x1], $0xffff;
	_ =	sdelay $0x4  }
0x30: {  	vm2 =	vgt.s32 v0, $0x0  }
0x31: {  	v0 =	vnsel vm2, $0x0, v0  }
0x32: {  	v0 =	vmin.u32 v0, $0x270F  }
0x33: {  	v0 =	vshll.u32 v0, $0x4  }
0x34: {  	s14 =	smul.u32 $0x32000, s14;
	_ =	sdelay $0x1  }
0x35: {  	s14 =	sshrl.u32 s14, $0x2  }
0x36: {  	s14 =	sor.u32 $0x320, s14  }
0x37: {  	[tilespmem:s14], [sflag:$0x1] =	stream.indirect_vreg.gather [hbm:s4], $0x80, v0, vm0, $0x38;
	[tilespmem:$0x19320] =	vst v63  }
0x38: {  	s17 =	sadd.s32 $0x10, s16;
	s15 =	sadd.s32 $0x400, s14  }
0x39: {  	[tilespmem:s15], [sflag:$0x1] =	stream.indirect_vreg.gather [hbm:s4], $0x80, v0, vm1, $0x38;
	[tilespmem:$0x19320] =	vst v63  }
0x3a: {  	s18 =	simm.s32 $0x80;
	v0 =	vld.msk [tilespmem:s17+$0x0 ss:$0x1], $0xffff;
	s17 =	smov.u32 s14  }
.LBB2_3:
0x3b: {  	p1 =	sne.s32 s18, $0x600;
	_ =	sdelay $0x4  }
0x3c: {  	vm2 =	vgt.s32 v0, $0x0  }
0x3d: {  	v0 =	vnsel vm2, $0x0, v0  }
0x3e: {  	v0 =	vmin.u32 v0, $0x270F  }
0x3f: {  	v0 =	vshll.u32 v0, $0x4;
	_ =	sdelay $0x3  }
.Ltmp3:
0x40: {  	s19 =	sshra.s32 s18, $0x2;
	s17 =	sadd.s32 $0x800, s17;
	(pc) =	sbr.rel @p1 .LBB2_3-.Ltmp3, $4  }
0x41: {  	[tilespmem:s17], [sflag:$0x1] =	stream.indirect_vreg.gather [hbm:s4], $0x80, v0, vm0, $0x38;
	[tilespmem:$0x19320] =	vst v63  }
0x42: {  	s19 =	sadd.s32 s19, s16;
	s20 =	sadd.s32 $0x400, s17  }
0x43: {  	[tilespmem:s20], [sflag:$0x1] =	stream.indirect_vreg.gather [hbm:s4], $0x80, v0, vm1, $0x38;
	[tilespmem:$0x19320] =	vst v63  }
0x44: {  	s18 =	sadd.s32 $0x40, s18;
	v0 =	vld.msk [tilespmem:s19+$0x0 ss:$0x1], $0xffff  }
0x45: {  	_ =	sdelay $0x3  }
0x46: {  	vm2 =	vgt.s32 v0, $0x0  }
0x47: {  	v0 =	vnsel vm2, $0x0, v0  }
0x48: {  	v0 =	vmin.u32 v0, $0x270F  }
0x49: {  	v0 =	vshll.u32 v0, $0x4;
	_ =	sdelay $0x3  }
0x4a: {  	s16 =	sadd.s32 $0x800, s17  }
0x4b: {  	[tilespmem:s16], [sflag:$0x1] =	stream.indirect_vreg.gather [hbm:s4], $0x80, v0, vm0, $0x38;
	[tilespmem:$0x19320] =	vst v63  }
0x4c: {  	s16 =	sadd.s32 $0x400, s16  }
0x4d: {  	[tilespmem:s16], [sflag:$0x1] =	stream.indirect_vreg.gather [hbm:s4], $0x80, v0, vm1, $0x38;
	[tilespmem:$0x19320] =	vst v63  }
0x4e: {  	s13 =	sshll.u32 s13, $0x4;
	_ =	swait.ge [sflag:s6], $0xC800  }
0x4f: {  	s13 =	sadd.s32 s13, s9;
	[sflag:s6] =	ssyncset.done $0x0  }
0x50: {  	s17 =	sadd.s32 $0x0, s13;
	s16 =	simm.s32 $0x80;
	[sflag:s6] =	ssyncadd.s32 $0xFFFF3800  }
.LBB2_5:
0x51: {  	[hbm:s17] =	stream.linear.scatter [tilespmem:s14], [sflag:$0x3], $0x400, $0x38;
	[tilespmem:$0x19320] =	vst v63  }
0x52: {  	s17 =	smov.u32 s16;
	s14 =	smov.u32 s15;
	p1 =	sne.s32 s16, $0x1880  }
.Ltmp4:
0x53: {  	s16 =	sadd.s32 $0x80, s16;
	(pc) =	sbr.rel @p1 .LBB2_5-.Ltmp4, $2  }
0x54: {  	_ =	sdelay $0x2  }
0x55: {  	s15 =	sadd.s32 $0x400, s15;
	s17 =	sadd.s32 s17, s13  }
.Ltmp5:
0x56: {  	_ = 	snop;
	(pc) =	sbr.rel .LBB2_6-.Ltmp5, $1  }
0x57: {  	_ =	sdelay $0x3  }
.LBB2_8:
0x58: {  	_ =	sfence.sel $0x180000  }
0x59: {  	s1 =	simm.s32 $0x2;
	[bflag:$0x0] =	sbarrier.arrive $0xFFFF  }
0x5a: {  	s30 =	simm.s32 $0x3;
	[sflag:s1] =	ssyncpa.u1 $0x1  }
0x5b: {  	s31 =	simm.s32 $0x1;
	[sflag:s30] =	ssyncpa.u1 $0x1  }
0x5c: {  	[sflag:s31] =	ssyncpa.u1 $0x1  }
0x5d: {  	p0 =	sne.s32 s0, $0x0;
	_ =	strace $0x90000047  }
0x5e: {  	s0 =	sadd.s32 @!p0 $0x100000, s2;
	[bflag:$0x2] =	sbarrier.arrive $0xFFFF  }
0x5f: {  	[sflag:s0] =	ssyncadd.tile.s32 @!p0 $0x1;
	_ =	shalt  }
.Lfunc_end2:
_tile_overlayer_lowered:
.L_overlay_start_2:
0x60: {  	(tag) =	ssettag $0x2  }
0x61: {  	s0 =	rddreg [dreg:$0x0];
	s2 =	stileid.u32  }
0x62: {  	s1 =	rddreg [dreg:$0x1];
	p0 =	sne.s32 s2, $0x0  }
0x63: {  	s3 =	rddreg [dreg:$0x2];
	[bflag:$0x3] =	sbarrier.arrive $0xFFFF;
	s2 =	simm.s32 @!p0 $0x1C01  }
0x64: {  	[timem:s3], [sflag:s2] =	dma.local @!p0 [hbm:s0], s1  }
0x65: {  	s0 =	simm.s32 @!p0 $0x1  }
0x66: {  	_ =	swait.ge @!p0 [sflag:s0], s1  }
0x67: {  	s1 =	ssub.s32 @!p0 $0x0, s1;
	[sflag:s0] =	ssyncset.done @!p0 $0x0  }
0x68: {  	[sflag:s0] =	ssyncadd.s32 @!p0 s1  }
0x69: {  	[bflag:$0x3] =	sbarrier.arrive $0xFFFF  }
0x6a: {  	_ =	shalt  }

// kernel: gather_offload_async_start
scs
__scs_entry_jumppad:
0x0: {  	(pc) =	sbr.rel $0x88, $3  }
0x1: {  	(tag) =	ssettag $0x0;
	lr =	simm.s32 $0x1  }
0x2: {  	[smem:$0x3F9A] =	sst lr;
	_ =	strace $0xD0000000  }
0x3: {  	_ = 	snop  }
0x4: {  	_ = 	snop  }
0x5: {  	_ = 	snop  }
0x6: {  	_ = 	snop  }
0x7: {  	_ = 	snop  }
__scs_overlays_trampoline_lowered:
0x8: {  	[smem:$0x3FA9] =	sst s0  }
0x9: {  	[smem:$0x3FAA] =	sst s1  }
0xa: {  	[smem:$0x3FAB] =	sst s2  }
0xb: {  	[smem:$0x3FAC] =	sst s3  }
0xc: {  	[smem:$0x3FAD] =	sst s4  }
0xd: {  	[smem:$0x3FAE] =	sst s5  }
0xe: {  	[smem:$0x3FAF] =	sst s6  }
0xf: {  	[smem:$0x3FB0] =	sst s7  }
0x10: {  	[smem:$0x3FB1] =	sst s8  }
0x11: {  	[smem:$0x3FB2] =	sst s9;
	s0 =	simm.s32 @!p0 $0x0  }
0x12: {  	s1 =	sld [smem:$0x3F98];
	s0 =	simm.s32 @p0 $0x1  }
0x13: {  	[smem:$0x3FB3] =	sst s0;
	s0 =	simm.s32 @!p1 $0x0  }
0x14: {  	s2 =	sld [smem:$0x3F97];
	s0 =	simm.s32 @p1 $0x1  }
0x15: {  	[smem:$0x3FB4] =	sst s0;
	s0 =	simm.s32 @!p2 $0x0  }
0x16: {  	s3 =	sld [smem:$0x3FDB];
	s0 =	simm.s32 @p2 $0x1  }
0x17: {  	s4 =	simm.s32 $0x1BF5;
	[smem:$0x3FB6] =	sst s0  }
0x18: {  	s0 =	sld [smem:$0x3F99];
	_ =	swait.ge [sflag:s4], $0x0  }
0x19: {  	s7 =	sld [smem:$0x3F9A]  }
0x1a: {  	s8 =	sadd.s32 $0xFFFFE003, lr  }
0x1b: {  	s9 =	sadd.s32 $0xFFFFFEF7, lr;
	s5 =	simm.s32 $0xFFFFFFFF;
	p2 =	slt.u32 s8, $0xFFFFF086  }
0x1c: {  	p1 =	slt.u32 s9, $0xF7A;
	s5 =	simm.s32 @!p2 $0x0  }
0x1d: {  	s5 =	simm.s32 @p1 $0x1;
	p0 =	seq.s32 s7, s2  }
0x1e: {  	s7 =	smul.u32 @!p0 $0xF7A, s2;
	p2 =	seq.s32 @!p0 s5, $0x0  }
0x1f: {  	s9 =	smul.u32 $0xF7A, s1;
	s8 =	simm.s32 @!p0 $0x1BF5;
	p2 =	por !p2, p0  }
0x20: {  	[sflag:s8] =	ssyncset.s32 @!p0 $0xFFFFF086;
	s6 =	sadd.s32 @!p0 s3, s7;
	s7 =	simm.s32 @!p0 $0x108  }
0x21: {  	s3 =	sadd.s32 s3, s9;
	s6 =	sadd.s32 @!p0 $0x88, s6;
	s7 =	simm.s32 @p2 $0x1082  }
0x22: {  	[simem:s7], [sflag:s8] =	dma.local @!p0 [hbm:s6], $0xF7A  }
0x23: {  	s9 =	sor.u32 $0xD0000000, s2;
	s6 =	simm.s32 $0x108;
	_ =	swait.ge @!p0 [sflag:s8], $0x0  }
0x24: {  	s3 =	sadd.s32 $0x88, s3;
	s6 =	simm.s32 @!p1 $0x1082;
	[sflag:s4] =	ssyncset.s32 $0xFFFFF086  }
0x25: {  	[simem:s6], [sflag:s4] =	dma.local [hbm:s3], $0xF7A  }
0x26: {  	[smem:$0x3F9A] =	sst s1;
	(tag) =	ssettag s2;
	_ =	strace s9  }
0x27: {  	s1 =	sld [smem:$0x3FAA]  }
0x28: {  	s2 =	sld [smem:$0x3FAB]  }
0x29: {  	s4 =	sld [smem:$0x3FAD]  }
0x2a: {  	p0 =	seq.s32 s5, $0x0;
	s5 =	sld [smem:$0x3FAE]  }
0x2b: {  	s6 =	sld [smem:$0x3FAF]  }
0x2c: {  	s7 =	sld [smem:$0x3FB0]  }
0x2d: {  	s3 =	simm.s32 $0x108;
	s8 =	sld [smem:$0x3FB1]  }
0x2e: {  	s3 =	simm.s32 @!p0 $0x1082;
	s9 =	sld [smem:$0x3FB2]  }
0x2f: {  	lr =	sadd.s32 s0, s3;
	s0 =	sld [smem:$0x3FA9]  }
0x30: {  	s3 =	sld [smem:$0x3FAC]  }
0x31: {  	[smem:$0x3FB5] =	sst s10  }
0x32: {  	s10 =	sld [smem:$0x3FB3];
	_ =	sdelay $0x3  }
0x33: {  	p0 =	seq.s32 s10, $0x1;
	s10 =	sld [smem:$0x3FB5];
	_ =	sdelay $0x3  }
0x34: {  	[smem:$0x3FB5] =	sst s10  }
0x35: {  	s10 =	sld [smem:$0x3FB4];
	_ =	sdelay $0x3  }
0x36: {  	p1 =	seq.s32 s10, $0x1;
	s10 =	sld [smem:$0x3FB5];
	_ =	sdelay $0x3  }
0x37: {  	[smem:$0x3FB5] =	sst s10  }
0x38: {  	s10 =	sld [smem:$0x3FB6]  }
0x39: {  	_ = 	snop;
	(pc) =	sbr.ind lr, $3  }
0x3a: {  	_ = 	snop  }
0x3b: {  	_ = 	snop  }
0x3c: {  	p2 =	seq.s32 s10, $0x1;
	s10 =	sld [smem:$0x3FB5]  }
0x3d: {  	_ =	shalt  }
0x3e: {  	_ =	shalt  }
0x3f: {  	_ =	shalt  }
0x40: {  	_ =	shalt  }
0x41: {  	_ =	shalt  }
0x42: {  	_ =	shalt  }
0x43: {  	_ =	shalt  }
0x44: {  	_ =	shalt  }
0x45: {  	_ =	shalt  }
0x46: {  	_ =	shalt  }
0x47: {  	_ =	shalt  }
0x48: {  	_ =	shalt  }
0x49: {  	_ =	shalt  }
0x4a: {  	_ =	shalt  }
0x4b: {  	_ =	shalt  }
0x4c: {  	_ =	shalt  }
0x4d: {  	_ =	shalt  }
0x4e: {  	_ =	shalt  }
0x4f: {  	_ =	shalt  }
0x50: {  	_ =	shalt  }
0x51: {  	_ =	shalt  }
0x52: {  	_ =	shalt  }
0x53: {  	_ =	shalt  }
0x54: {  	_ =	shalt  }
0x55: {  	_ =	shalt  }
0x56: {  	_ =	shalt  }
0x57: {  	_ =	shalt  }
0x58: {  	_ =	shalt  }
0x59: {  	_ =	shalt  }
0x5a: {  	_ =	shalt  }
0x5b: {  	_ =	shalt  }
0x5c: {  	_ =	shalt  }
0x5d: {  	_ =	shalt  }
0x5e: {  	_ =	shalt  }
0x5f: {  	_ =	shalt  }
0x60: {  	_ =	shalt  }
0x61: {  	_ =	shalt  }
0x62: {  	_ =	shalt  }
0x63: {  	_ =	shalt  }
0x64: {  	_ =	shalt  }
0x65: {  	_ =	shalt  }
0x66: {  	_ =	shalt  }
0x67: {  	_ =	shalt  }
0x68: {  	_ =	shalt  }
0x69: {  	_ =	shalt  }
0x6a: {  	_ =	shalt  }
0x6b: {  	_ =	shalt  }
0x6c: {  	_ =	shalt  }
0x6d: {  	_ =	shalt  }
0x6e: {  	_ =	shalt  }
0x6f: {  	_ =	shalt  }
0x70: {  	_ =	shalt  }
0x71: {  	_ =	shalt  }
0x72: {  	_ =	shalt  }
0x73: {  	_ =	shalt  }
0x74: {  	_ =	shalt  }
0x75: {  	_ =	shalt  }
0x76: {  	_ =	shalt  }
0x77: {  	_ =	shalt  }
0x78: {  	_ =	shalt  }
0x79: {  	_ =	shalt  }
0x7a: {  	_ =	shalt  }
0x7b: {  	_ =	shalt  }
0x7c: {  	_ =	shalt  }
0x7d: {  	_ =	shalt  }
0x7e: {  	_ =	shalt  }
0x7f: {  	_ =	shalt  }
0x80: {  	_ =	shalt  }
0x81: {  	_ =	shalt  }
0x82: {  	_ =	shalt  }
0x83: {  	_ =	shalt  }
0x84: {  	_ =	shalt  }
0x85: {  	_ =	shalt  }
0x86: {  	_ =	shalt  }
0x87: {  	_ =	shalt  }
.Lfunc_end0:
.L_simem_size_0:
called_computation_lowered:
.L_overlay_start_0:
0x88: {  	s0 =	sld [smem:$0x3FD9]  }
0x89: {  	s1 =	sld [smem:$0x3FFE];
	_ =	sdelay $0x3  }
0x8a: {  	s0 =	sadd.s32 s1, s0  }
0x8b: {  	[smem:$0x3FC1] =	sst s0  }
0x8c: {  	_ = 	snop  }
0x8d: {  	s0 =	sld [smem:$0x3FC8]  }
0x8e: {  	s16 =	sld [smem:$0x3FD0];
	(tm) =	ssettm $0x1  }
0x8f: {  	s2 =	sld [smem:$0x3FFB];
	_ =	sdelay $0x3  }
0x90: {  	_ =	strace s2  }
0x91: {  	s2 =	sld [smem:$0x3FFC];
	_ =	sdelay $0x3  }
0x92: {  	_ =	strace s2  }
0x93: {  	s2 =	sld [smem:$0x3FFD];
	_ =	sdelay $0x3  }
0x94: {  	_ =	strace s2  }
0x95: {  	_ =	strace $0x8FFFFFFF  }
0x96: {  	s17 =	sld [smem:$0x3FDB];
	_ =	sdelay $0x1  }
0x97: {  	s3 =	simm.s32 $_scs_section_size  }
0x98: {  	s4 =	simm.s32 $_size__tile_overlayer_lowered;
	s5 =	simm.s32 $_tile_overlayer_lowered  }
0x99: {  	s20 =	simm.s32 $0x1BFF;
	s19 =	sshll.u32 s5, $0x1;
	s2 =	sadd.s32 s3, s17  }
0x9a: {  	s6 =	simm.s32 $0x0;
	s18 =	sshll.u32 s4, $0x1;
	s4 =	sadd.s32 s19, s2  }
0x9b: {  	[timem:s6], [sflag:s20] =	dma.local [hbm:s4], s18  }
0x9c: {  	_ =	swait.ge [sflag:s20], s18  }
0x9d: {  	s3 =	ssub.s32 $0x0, s18;
	[sflag:s20] =	ssyncset.done $0x0  }
0x9e: {  	[sflag:s20] =	ssyncadd.s32 s3;
	_ =	sdelay $0x1  }
0x9f: {  	s21 =	simm.s32 $0x1B8B  }
0xa0: {  	_ =	swait.ge [sflag:s21], $0x1  }
0xa1: {  	[sflag:s21] =	ssyncset.done $0x0  }
0xa2: {  	s23 =	simm.s32 $0x1B8E;
	s22 =	sld [smem:$0x3FFE];
	[sflag:s21] =	ssyncadd.s32 $0xFFFFFFFF  }
0xa3: {  	s24 =	simm.s32 $execute0_lowered;
	[smem:$0x3FD2] =	sst s23  }
0xa4: {  	s4 =	sshll.u32 s24, $0x1;
	_ =	strace $0x80000049;
	[dreg:$0x1] =	wrdreg $0xFFFFFFFF  }
0xa5: {  	s25 =	simm.s32 $_size_execute0_lowered;
	s2 =	sadd.s32 s2, s4;
	[dreg:$0x0] =	wrdreg $0x0  }
0xa6: {  	s4 =	sshll.u32 s25, $0x1;
	[dreg:$0x2] =	wrdreg s2  }
0xa7: {  	[dreg:$0x3] =	wrdreg s4  }
0xa8: {  	[dreg:$0x4] =	wrdreg $0xC0  }
0xa9: {  	_ =	task [dreg:s6], $0x5FFFF  }
0xaa: {  	[dreg:$0x1] =	wrdreg $0xFFFFFFFF  }
0xab: {  	[dreg:$0x0] =	wrdreg $0x60  }
0xac: {  	[dreg:$0x2] =	wrdreg s0  }
0xad: {  	[dreg:$0x3] =	wrdreg s22  }
0xae: {  	[dreg:$0x4] =	wrdreg s16  }
0xaf: {  	[dreg:$0x5] =	wrdreg $0x9  }
0xb0: {  	_ =	task.clear_ibuf [dreg:s6], $0x6FFFF;
	_ =	strace $0x90000049  }
0xb1: {  	s26 =	simm.s32 $0x9;
	_ =	strace $0x8000004B  }
0xb2: {  	_ =	swait.ge [sflag:s26], $0x1  }
0xb3: {  	[sflag:s26] =	ssyncadd.s32 $0xFFFFFFFF  }
0xb4: {  	_ =	strace $0x9000004B  }
0xb5: {  	_ =	sfence  }
0xb6: {  	s28 =	sld [smem:$0x0];
	_ =	sdelay $0x1  }
0xb7: {  	s29 =	srdreg.scid  }
0xb8: {  	s30 =	sshll.u32 s29, $0xD;
	s31 =	sshrl.u32 s29, $0x2  }
0xb9: {  	s1 =	sand.u32 $0x1, s29;
	s2 =	sand.u32 $0x4000, s30;
	s0 =	sadd.s32 s31, s28  }
0xba: {  	s1 =	sor.u32 s2, s1;
	s0 =	sshll.u32 s0, $0x11  }
0xbb: {  	s0 =	sor.u32 s0, s1  }
0xbc: {  	s0 =	sadd.s32 $0x8F2B, s0  }
0xbd: {  	[sflag:s0] =	ssyncadd.remote.s32 $0x1  }
0xbe: {  	_ =	sfence.sel $0xFFFF  }
0xbf: {  	[dreg:$0x0] =	wrdreg $0xFFFFFFFF;
	(pc) =	sbr.abs _section_cstart, $3  }
0xc0: {  	[dreg:$0x1] =	wrdreg $0xFFFFFFFF  }
0xc1: {  	_ =	task.clear_ibuf [dreg:s6], $0x2FFFF;
	_ =	strace $0x9FFFFFFF  }
0xc2: {  	(tm) =	ssettm $0x7FFFFFFF  }
0xc3: {  	_ =	shalt  }
tec
execute0_lowered:
.L_overlay_start_1:
0x0: {  	(tag) =	ssettag $0x1  }
0x1: {  	s0 =	stileid.u32  }
0x2: {  	s1 =	smin.u32 s0, $0x9  }
0x3: {  	s1 =	sadd.s32 s0, s1  }
0x4: {  	s2 =	simm.s32 $0x320;
	p0 =	slt.u32 s0, $0x9;
	s1 =	smul.u32 $0x190, s1  }
0x5: {  	s2 =	simm.s32 @!p0 $0x190  }
0x6: {  	s2 =	sadd.s32 s2, s1  }
0x7: {  	s3 =	smin.u32 s2, $0x2710  }
0x8: {  	s7 =	ssub.s32 s3, s1  }
0x9: {  	p0 =	sgt.s32 s7, $0x0  }
0xa: {  	s7 =	simm.s32 @!p0 $0x0  }
0xb: {  	s31 =	sand.u32 $0xFFF0, s7  }
0xc: {  	s4 =	rddreg [dreg:$0x0];
	s2 =	sshrl.u32 s31, $0x4  }
0xd: {  	s9 =	rddreg [dreg:$0x1];
	s2 =	smul.u32 $0xA3E, s2  }
0xe: {  	s5 =	rddreg [dreg:$0x2]  }
0xf: {  	s6 =	simm.s32 $0x1;
	s11 =	simm.s32 $0x3;
	s8 =	sshrl.u32 s2, $0x10  }
0x10: {  	s13 =	simm.s32 $0x0;
	s12 =	simm.s32 $0x0;
	s10 =	smul.u32 $0x190, s8  }
.Ltmp0:
0x11: {  	s9 =	sadd.s32 $0x1600, s9;
	s2 =	rddreg [dreg:$0x3];
	(pc) =	sbr.rel .LBB2_1-.Ltmp0, $4  }
0x12: {  	_ =	strace $0x8000004A;
	p0 =	sne.s32 s7, s10;
	s10 =	simm.s32 $0x1  }
0x13: {  	[sflag:s6] =	ssyncpa.u1 $0x0;
	s7 =	simm.s32 $0x2;
	s10 =	simm.s32 @!p0 $0x0  }
0x14: {  	[sflag:s7] =	ssyncpa.u1 $0x0;
	p0 =	por $0x0, $0x0;
	s8 =	sadd.s32 s8, s10  }
0x15: {  	vm0 =	vmmov $0xff;
	vm1 =	vcmask $0x3F20;
	[sflag:s11] =	ssyncpa.u1 $0x0;
	s11 =	smov.u32 s1;
	s10 =	sadd.s32 $0x1, s8  }
.LBB2_6:
0x16: {  	[hbm:s17] =	stream.linear.scatter [tilespmem:s14], [sflag:$0x3], $0x400, $0x38;
	[tilespmem:$0x19320] =	vst v63  }
.LBB2_7:
0x17: {  	s13 =	sadd.s32 $0x190, s11  }
0x18: {  	s15 =	smov.u32 s1;
	p2 =	slt.s32 s13, s3  }
0x19: {  	s15 =	smov.u32 @p2 s13;
	p2 =	sne.s32 s12, s10  }
.Ltmp1:
0x1a: {  	p1 =	slt.u32 s12, $0x2;
	(pc) =	sbr.rel @!p2 .LBB2_8-.Ltmp1, $4  }
0x1b: {  	s14 =	simm.s32 @!p1 $0x3  }
0x1c: {  	s16 =	sadd.s32 $0x1, s12;
	_ =	swait.ge @!p1 [sflag:s14], $0xC800  }
0x1d: {  	p0 =	por !p0, !p0;
	s13 =	smov.u32 s11;
	[sflag:s14] =	ssyncset.done @!p1 $0x0  }
0x1e: {  	s12 =	smov.u32 s16;
	s11 =	smov.u32 s15;
	[sflag:s14] =	ssyncadd.s32 @!p1 $0xFFFF3800  }
.LBB2_1:
0x1f: {  	p1 =	sge.u32 s12, s8  }
0x20: {  	s14 =	sxor.u32 @!p1 $0xFFFFFFFF, s12  }
0x21: {  	s14 =	sand.u32 @!p1 $0x1, s14  }
0x22: {  	s14 =	smul.u32 @!p1 $0x640, s14  }
0x23: {  	s31 =	sadd.s32 $0xFFFFFFFF, s12;
	s15 =	sshrl.u32 @!p1 s11, $0x3  }
0x24: {  	s16 =	sand.u32 @!p1 $0x7, s11;
	s15 =	sadd.s32 @!p1 s9, s15;
	s14 =	sshrl.u32 @!p1 s14, $0x2  }
0x25: {  	[tilespmem:s14], [sflag:$0x2] =	stream.linear.gather @!p1 [hbm4b:s15+s16], $0x190, $0x38;
	[tilespmem:$0x19320] =	vst v63  }
0x26: {  	p1 =	sge.u32 s31, s8  }
.Ltmp2:
0x27: {  	_ = 	snop;
	(pc) =	sbr.rel @p1 .LBB2_7-.Ltmp2, $1  }
0x28: {  	_ =	sdelay $0x3  }
0x29: {  	s14 =	simm.s32 $0x1  }
0x2a: {  	s14 =	simm.s32 @!p0 $0x0  }
0x2b: {  	s15 =	smul.u32 $0x640, s14  }
0x2c: {  	_ =	swait.ge [sflag:s7], $0x190  }
0x2d: {  	[sflag:s7] =	ssyncset.done $0x0;
	s16 =	sshrl.u32 s15, $0x2  }
0x2e: {  	[sflag:s7] =	ssyncadd.s32 $0xFFFFFE70;
	s15 =	sadd.s32 $0x0, s16  }
0x2f: {  	v0 =	vld.msk [tilespmem:s15+$0x0 ss:$0x1], $0xffff;
	_ =	sdelay $0x4  }
0x30: {  	vm2 =	vgt.s32 v0, $0x0  }
0x31: {  	v0 =	vnsel vm2, $0x0, v0  }
0x32: {  	v0 =	vmin.u32 v0, $0x270F  }
0x33: {  	v0 =	vshll.u32 v0, $0x4  }
0x34: {  	s14 =	smul.u32 $0x32000, s14;
	_ =	sdelay $0x1  }
0x35: {  	s14 =	sshrl.u32 s14, $0x2  }
0x36: {  	s14 =	sor.u32 $0x320, s14  }
0x37: {  	[tilespmem:s14], [sflag:$0x1] =	stream.indirect_vreg.gather [hbm:s4], $0x80, v0, vm0, $0x38;
	[tilespmem:$0x19320] =	vst v63  }
0x38: {  	s17 =	sadd.s32 $0x10, s16;
	s15 =	sadd.s32 $0x400, s14  }
0x39: {  	[tilespmem:s15], [sflag:$0x1] =	stream.indirect_vreg.gather [hbm:s4], $0x80, v0, vm1, $0x38;
	[tilespmem:$0x19320] =	vst v63  }
0x3a: {  	s18 =	simm.s32 $0x80;
	v0 =	vld.msk [tilespmem:s17+$0x0 ss:$0x1], $0xffff;
	s17 =	smov.u32 s14  }
.LBB2_3:
0x3b: {  	p1 =	sne.s32 s18, $0x600;
	_ =	sdelay $0x4  }
0x3c: {  	vm2 =	vgt.s32 v0, $0x0  }
0x3d: {  	v0 =	vnsel vm2, $0x0, v0  }
0x3e: {  	v0 =	vmin.u32 v0, $0x270F  }
0x3f: {  	v0 =	vshll.u32 v0, $0x4;
	_ =	sdelay $0x3  }
.Ltmp3:
0x40: {  	s19 =	sshra.s32 s18, $0x2;
	s17 =	sadd.s32 $0x800, s17;
	(pc) =	sbr.rel @p1 .LBB2_3-.Ltmp3, $4  }
0x41: {  	[tilespmem:s17], [sflag:$0x1] =	stream.indirect_vreg.gather [hbm:s4], $0x80, v0, vm0, $0x38;
	[tilespmem:$0x19320] =	vst v63  }
0x42: {  	s19 =	sadd.s32 s19, s16;
	s20 =	sadd.s32 $0x400, s17  }
0x43: {  	[tilespmem:s20], [sflag:$0x1] =	stream.indirect_vreg.gather [hbm:s4], $0x80, v0, vm1, $0x38;
	[tilespmem:$0x19320] =	vst v63  }
0x44: {  	s18 =	sadd.s32 $0x40, s18;
	v0 =	vld.msk [tilespmem:s19+$0x0 ss:$0x1], $0xffff  }
0x45: {  	_ =	sdelay $0x3  }
0x46: {  	vm2 =	vgt.s32 v0, $0x0  }
0x47: {  	v0 =	vnsel vm2, $0x0, v0  }
0x48: {  	v0 =	vmin.u32 v0, $0x270F  }
0x49: {  	v0 =	vshll.u32 v0, $0x4;
	_ =	sdelay $0x3  }
0x4a: {  	s16 =	sadd.s32 $0x800, s17  }
0x4b: {  	[tilespmem:s16], [sflag:$0x1] =	stream.indirect_vreg.gather [hbm:s4], $0x80, v0, vm0, $0x38;
	[tilespmem:$0x19320] =	vst v63  }
0x4c: {  	s16 =	sadd.s32 $0x400, s16  }
0x4d: {  	[tilespmem:s16], [sflag:$0x1] =	stream.indirect_vreg.gather [hbm:s4], $0x80, v0, vm1, $0x38;
	[tilespmem:$0x19320] =	vst v63  }
0x4e: {  	s13 =	sshll.u32 s13, $0x4;
	_ =	swait.ge [sflag:s6], $0xC800  }
0x4f: {  	s13 =	sadd.s32 s13, s5;
	[sflag:s6] =	ssyncset.done $0x0  }
0x50: {  	s17 =	sadd.s32 $0x0, s13;
	s16 =	simm.s32 $0x80;
	[sflag:s6] =	ssyncadd.s32 $0xFFFF3800  }
.LBB2_5:
0x51: {  	[hbm:s17] =	stream.linear.scatter [tilespmem:s14], [sflag:$0x3], $0x400, $0x38;
	[tilespmem:$0x19320] =	vst v63  }
0x52: {  	s17 =	smov.u32 s16;
	s14 =	smov.u32 s15;
	p1 =	sne.s32 s16, $0x1880  }
.Ltmp4:
0x53: {  	s16 =	sadd.s32 $0x80, s16;
	(pc) =	sbr.rel @p1 .LBB2_5-.Ltmp4, $2  }
0x54: {  	_ =	sdelay $0x2  }
0x55: {  	s15 =	sadd.s32 $0x400, s15;
	s17 =	sadd.s32 s17, s13  }
.Ltmp5:
0x56: {  	_ = 	snop;
	(pc) =	sbr.rel .LBB2_6-.Ltmp5, $1  }
0x57: {  	_ =	sdelay $0x3  }
.LBB2_8:
0x58: {  	_ =	sfence.sel $0x180000  }
0x59: {  	s1 =	simm.s32 $0x2;
	[bflag:$0x0] =	sbarrier.arrive $0xFFFF  }
0x5a: {  	s30 =	simm.s32 $0x3;
	[sflag:s1] =	ssyncpa.u1 $0x1  }
0x5b: {  	s31 =	simm.s32 $0x1;
	[sflag:s30] =	ssyncpa.u1 $0x1  }
0x5c: {  	[sflag:s31] =	ssyncpa.u1 $0x1  }
0x5d: {  	p0 =	sne.s32 s0, $0x0;
	_ =	strace $0x9000004A  }
0x5e: {  	s0 =	sadd.s32 @!p0 $0x100000, s2;
	[bflag:$0x2] =	sbarrier.arrive $0xFFFF  }
0x5f: {  	[sflag:s0] =	ssyncadd.tile.s32 @!p0 $0x1;
	_ =	shalt  }
.Lfunc_end2:
_tile_overlayer_lowered:
.L_overlay_start_2:
0x60: {  	(tag) =	ssettag $0x2  }
0x61: {  	s0 =	rddreg [dreg:$0x0];
	s2 =	stileid.u32  }
0x62: {  	s1 =	rddreg [dreg:$0x1];
	p0 =	sne.s32 s2, $0x0  }
0x63: {  	s3 =	rddreg [dreg:$0x2];
	[bflag:$0x3] =	sbarrier.arrive $0xFFFF;
	s2 =	simm.s32 @!p0 $0x1C01  }
0x64: {  	[timem:s3], [sflag:s2] =	dma.local @!p0 [hbm:s0], s1  }
0x65: {  	s0 =	simm.s32 @!p0 $0x1  }
0x66: {  	_ =	swait.ge @!p0 [sflag:s0], s1  }
0x67: {  	s1 =	ssub.s32 @!p0 $0x0, s1;
	[sflag:s0] =	ssyncset.done @!p0 $0x0  }
0x68: {  	[sflag:s0] =	ssyncadd.s32 @!p0 s1  }
0x69: {  	[bflag:$0x3] =	sbarrier.arrive $0xFFFF  }
0x6a: {  	_ =	shalt  }

</sc_bundles>
